<compile_context>
chip_gen: v7x
topology: tpu7x:2x2x1
jax: 0.10.2.dev20260603
libtpu: 0.0.44.dev20260713+nightly
codegen_flags: <defaults>
</compile_context>

<pallas_src>
import functools

import jax
import jax.numpy as jnp
from jax import lax
from jax.experimental import pallas as pl
from jax.experimental.pallas import tpu as pltpu
from jax.experimental.pallas import tpu_sc as plsc

_SLAB = 80
_NBUF = 3
_LANES = 16


@functools.lru_cache(maxsize=None)
def _build_gather(n, k, d):
    n_rows = n * k
    slab8 = 8 * k
    info = plsc.get_sparse_core_info()
    nc, ns = info.num_cores, info.num_subcores
    nw = nc * ns
    assert n_rows % nw == 0
    b_per_w = n_rows // nw
    assert b_per_w % _SLAB == 0 and _SLAB % _LANES == 0 and _SLAB <= 128
    assert slab8 & (slab8 - 1) == 0
    n_slabs = b_per_w // _SLAB
    assert n_slabs % _NBUF == 2
    assert n % ns == 0
    g_load = (b_per_w // slab8 + 2) * slab8

    mesh = plsc.VectorSubcoreMesh(core_axis_name="c", subcore_axis_name="s")

    @functools.partial(
        pl.kernel,
        mesh=mesh,
        out_type=jax.ShapeDtypeStruct((n_rows, d), jnp.float32),
        scratch_types=[
            pltpu.VMEM_SHARED((n, d), jnp.float32),
            pltpu.VMEM((g_load,), jnp.int32),
        ]
        + [pltpu.VMEM((_SLAB,), jnp.int32)] * _NBUF
        + [pltpu.VMEM((_SLAB, d), jnp.float32)] * _NBUF
        + [pltpu.SemaphoreType.DMA] * (2 * _NBUF),
        compiler_params=pltpu.CompilerParams(needs_layout_passes=False),
    )
    def gather_k(table_hbm, idx_hbm, out_hbm, tshared, gsrc, *rest):
        idxbs = rest[:_NBUF]
        bufs = rest[_NBUF:2 * _NBUF]
        gsem = rest[2 * _NBUF:3 * _NBUF]
        wsem = rest[3 * _NBUF:]
        sid = lax.axis_index("s")
        wid = sid * nc + lax.axis_index("c")
        p0 = wid * b_per_w

        rows_per_tile = (n // ns) & ~7
        rem = n - rows_per_tile * ns
        stripe = pltpu.make_async_copy(
            table_hbm.at[pl.ds(sid * rows_per_tile, rows_per_tile)],
            tshared.at[pl.ds(sid * rows_per_tile, rows_per_tile)],
            gsem[0],
        )
        stripe.start()
        if rem:
            @pl.when(sid == 0)
            def _():
                pltpu.sync_copy(
                    table_hbm.at[pl.ds(rows_per_tile * ns, rem)],
                    tshared.at[pl.ds(rows_per_tile * ns, rem)],
                )
        off = jnp.minimum((p0 // slab8) * slab8, n_rows - g_load)
        pltpu.sync_copy(idx_hbm.at[pl.ds(off, g_load)], gsrc)
        stripe.wait()
        plsc.subcore_barrier()

        def fill_idx(s, ph):
            for g in range(_SLAB // _LANES):
                p_vec = (p0 + s * _SLAB + g * _LANES) + lax.iota(jnp.int32, _LANES)
                t = p_vec & (slab8 - 1)
                src = (p_vec - t - off) + (t & 7) * k + (t >> 3)
                idxbs[ph][pl.ds(g * _LANES, _LANES)] = plsc.load_gather(gsrc, [src])

        def gather_desc(ph):
            return pltpu.make_async_copy(
                tshared.at[idxbs[ph]], bufs[ph], gsem[ph])

        def write_desc(s, ph):
            return pltpu.make_async_copy(
                bufs[ph],
                out_hbm.at[pl.ds(p0 + s * _SLAB, _SLAB)],
                wsem[ph],
            )

        def stage(s, ph, first=False, guard=True):
            if not first:
                def free_buf():
                    write_desc(s - _NBUF, ph).wait()
                if guard:
                    pl.when(s >= _NBUF)(free_buf)
                else:
                    free_buf()
            fill_idx(s, ph)
            gather_desc(ph).start()
            if not first:
                gather_desc((ph - 1) % _NBUF).wait()
                write_desc(s - 1, (ph - 1) % _NBUF).start()

        stage(0, 0, first=True)

        def body(r, carry):
            s = r * _NBUF
            for i in range(1, _NBUF + 1):
                stage(s + i, i % _NBUF)
            return carry

        lax.fori_loop(0, (n_slabs - 2) // _NBUF, body, 0)

        last = n_slabs - 1
        stage(last, last % _NBUF, guard=False)
        gather_desc(last % _NBUF).wait()
        write_desc(last, last % _NBUF).start()
        for s in range(n_slabs - _NBUF + 1, n_slabs + 1):
            write_desc(s - 1, (s - 1) % _NBUF).wait()

    return gather_k


def kernel(logits, G):
    n, d = logits.shape
    k = G.shape[1]
    idx = G.astype(jnp.int32).reshape(-1)
    out = _build_gather(n, k, d)(logits, idx)
    return out.reshape(n // 8, k, 8, d).transpose(0, 2, 1, 3).reshape(n, k * d)

# --- scband reference (transcript-rebuilt; emitter-appended) ---
"""Pipeline reference for scband-graph-convolution-49855980372486 (READ-ONLY COPY).

The authoritative reference and input builder live on the scoring server;
editing this copy changes nothing except your own understanding.
"""

import jax, jax.numpy as jnp
import numpy as np

N = 10000
K = 32
D = 128

def setup_inputs(seed: int = 0) -> dict:
    key = jax.random.key(seed)
    k1, k2 = jax.random.split(key)
    logits = jax.random.normal(k1, (N, D), dtype=jnp.float32)
    G = jax.random.randint(k2, (N, K), 0, N, dtype=jnp.int64)
    return {"logits": logits, "G": G}

def reference(logits, G):
    # tf.gather(logits, G) -> [N, K, D]; reshape to [-1, D*K] (row-major flatten of last two dims)
    gathered = jnp.take(logits, G, axis=0)
    out = gathered.reshape(-1, logits.shape[1] * G.shape[1])
    return out

if __name__ == "__main__":
    import jax
    _d = setup_inputs()
    print(jax.jit(kernel)(*tuple(_d.values())))

</pallas_src>

<mosaic_0001>
#map = affine_map<(d0, d1) -> (0, 0)>
#map1 = affine_map<(d0, d1) -> (0)>
module attributes {stable_mosaic.version = 14 : i64} {
  func.func @gather_k(%arg0: i32, %arg1: i32, %arg2: memref<10000x128xf32, #tpu.memory_space<hbm>>, %arg3: memref<320000xi32, #tpu.memory_space<hbm>>, %arg4: memref<320000x128xf32, #tpu.memory_space<hbm>>, %arg5: memref<10000x128xf32, #tpu.memory_space<vmem_shared>>, %arg6: memref<10496xi32, #tpu.memory_space<vmem>>, %arg7: memref<80xi32, #tpu.memory_space<vmem>>, %arg8: memref<80xi32, #tpu.memory_space<vmem>>, %arg9: memref<80xi32, #tpu.memory_space<vmem>>, %arg10: memref<80x128xf32, #tpu.memory_space<vmem>>, %arg11: memref<80x128xf32, #tpu.memory_space<vmem>>, %arg12: memref<80x128xf32, #tpu.memory_space<vmem>>, %arg13: memref<!tpu.dma_semaphore, #tpu.memory_space<semaphore_mem>>, %arg14: memref<!tpu.dma_semaphore, #tpu.memory_space<semaphore_mem>>, %arg15: memref<!tpu.dma_semaphore, #tpu.memory_space<semaphore_mem>>, %arg16: memref<!tpu.dma_semaphore, #tpu.memory_space<semaphore_mem>>, %arg17: memref<!tpu.dma_semaphore, #tpu.memory_space<semaphore_mem>>, %arg18: memref<!tpu.dma_semaphore, #tpu.memory_space<semaphore_mem>>) attributes {dimension_semantics = [#tpu.dimension_semantics<core_parallel>, #tpu.dimension_semantics<subcore_parallel>], iteration_bounds = array<i64: 2, 16>, scalar_prefetch = 0 : i64, scratch_operands = 14 : i64, tpu.core_type = #tpu.core_type<sc_vector_subcore>, window_params = [{transform_indices = #map}, {transform_indices = #map1}, {transform_indices = #map}]} {
    %mul3A = arith.constant 2 : i32
    %mul3A_0 = arith.muli %arg1, %mul3A : i32
    %add3A = arith.addi %mul3A_0, %arg0 : i32
    %mul3A_1 = arith.constant 10000 : i32
    %mul3A_2 = arith.muli %add3A, %mul3A_1 : i32
    %mul3A_3 = arith.constant 624 : i32
    %mul3A_4 = arith.muli %arg1, %mul3A_3 : i32
    %mul3A_5 = arith.constant 624 : i32
    %mul3A_6 = arith.muli %arg1, %mul3A_5 : i32
    %dma_start3A = arith.constant 0 : i32
    %dma_start3A_7 = tpu.memref_slice %arg5[%mul3A_6, %dma_start3A] : memref<10000x128xf32, #tpu.memory_space<vmem_shared>> -> memref<624x128xf32, #tpu.memory_space<vmem_shared>>
    %dma_start3A_8 = arith.constant 0 : i32
    %dma_start3A_9 = tpu.memref_slice %arg2[%mul3A_4, %dma_start3A_8] : memref<10000x128xf32, #tpu.memory_space<hbm>> -> memref<624x128xf32, #tpu.memory_space<hbm>>
    tpu.enqueue_dma source(%dma_start3A_9 : memref<624x128xf32, #tpu.memory_space<hbm>>) target(%dma_start3A_7 : memref<624x128xf32, #tpu.memory_space<vmem_shared>>) target_semaphore(%arg13 : memref<!tpu.dma_semaphore, #tpu.memory_space<semaphore_mem>>)
    %eq3A = arith.constant 0 : i32
    %eq3A_10 = arith.cmpi eq, %arg1, %eq3A : i32
    %convert_element_type3A = arith.extui %eq3A_10 : i1 to i32
    %cond3A = arith.constant 0 : i32
    %cond3A_11 = arith.cmpi ne, %convert_element_type3A, %cond3A : i32
    scf.if %cond3A_11 {
      "tpu.region"() ({
        %run_scoped3A = tpu.sem_alloc : memref<!tpu.dma_semaphore, #tpu.memory_space<semaphore_mem>>
        %dma_start3A_353 = arith.constant 9984 : i32
        %dma_start3A_354 = arith.constant 0 : i32
        %dma_start3A_355 = tpu.memref_slice %arg5[%dma_start3A_353, %dma_start3A_354] : memref<10000x128xf32, #tpu.memory_space<vmem_shared>> -> memref<16x128xf32, #tpu.memory_space<vmem_shared>>
        %dma_start3A_356 = arith.constant 9984 : i32
        %dma_start3A_357 = arith.constant 0 : i32
        %dma_start3A_358 = tpu.memref_slice %arg2[%dma_start3A_356, %dma_start3A_357] : memref<10000x128xf32, #tpu.memory_space<hbm>> -> memref<16x128xf32, #tpu.memory_space<hbm>>
        tpu.enqueue_dma source(%dma_start3A_358 : memref<16x128xf32, #tpu.memory_space<hbm>>) target(%dma_start3A_355 : memref<16x128xf32, #tpu.memory_space<vmem_shared>>) target_semaphore(%run_scoped3A : memref<!tpu.dma_semaphore, #tpu.memory_space<semaphore_mem>>)
        %dma_wait3A_359 = arith.constant 9984 : i32
        %dma_wait3A_360 = arith.constant 0 : i32
        %dma_wait3A_361 = tpu.memref_slice %arg5[%dma_wait3A_359, %dma_wait3A_360] : memref<10000x128xf32, #tpu.memory_space<vmem_shared>> -> memref<16x128xf32, #tpu.memory_space<vmem_shared>>
        %dma_wait3A_362 = arith.constant 9984 : i32
        %dma_wait3A_363 = arith.constant 0 : i32
        %dma_wait3A_364 = tpu.memref_slice %arg2[%dma_wait3A_362, %dma_wait3A_363] : memref<10000x128xf32, #tpu.memory_space<hbm>> -> memref<16x128xf32, #tpu.memory_space<hbm>>
        tpu.wait_dma2 semaphore(%run_scoped3A : memref<!tpu.dma_semaphore, #tpu.memory_space<semaphore_mem>>) src(%dma_wait3A_364 : memref<16x128xf32, #tpu.memory_space<hbm>>) dst(%dma_wait3A_361 : memref<16x128xf32, #tpu.memory_space<vmem_shared>>)
        tpu.yield
      }) : () -> ()
    } else {
    }
    %jit3A = arith.constant 256 : i32
    %div3A = arith.divsi %mul3A_2, %jit3A : i32
    %sign3A = arith.constant 0 : i32
    %sign3A_12 = arith.cmpi sgt, %mul3A_2, %sign3A : i32
    %sign3A_13 = arith.extui %sign3A_12 : i1 to i32
    %sign3A_14 = arith.constant 0 : i32
    %sign3A_15 = arith.cmpi slt, %mul3A_2, %sign3A_14 : i32
    %sign3A_16 = arith.extui %sign3A_15 : i1 to i32
    %sign3A_17 = arith.subi %sign3A_13, %sign3A_16 : i32
    %sign3A_18 = arith.constant 0 : i32
    %sign3A_19 = arith.cmpi sgt, %jit3A, %sign3A_18 : i32
    %sign3A_20 = arith.extui %sign3A_19 : i1 to i32
    %sign3A_21 = arith.constant 0 : i32
    %sign3A_22 = arith.cmpi slt, %jit3A, %sign3A_21 : i32
    %sign3A_23 = arith.extui %sign3A_22 : i1 to i32
    %sign3A_24 = arith.subi %sign3A_20, %sign3A_23 : i32
    %ne3A = arith.cmpi ne, %sign3A_17, %sign3A_24 : i32
    %rem3A = arith.remsi %mul3A_2, %jit3A : i32
    %ne3A_25 = arith.constant 0 : i32
    %ne3A_26 = arith.cmpi ne, %rem3A, %ne3A_25 : i32
    %and3A = arith.andi %ne3A, %ne3A_26 : i1
    %sub3A = arith.constant 1 : i32
    %sub3A_27 = arith.subi %div3A, %sub3A : i32
    %select_n3A = arith.select %and3A, %sub3A_27, %div3A : i32
    %mul3A_28 = arith.constant 256 : i32
    %mul3A_29 = arith.muli %select_n3A, %mul3A_28 : i32
    %min3A = arith.constant 309504 : i32
    %min3A_30 = arith.minsi %mul3A_29, %min3A : i32
    "tpu.region"() ({
      %run_scoped3A = tpu.sem_alloc : memref<!tpu.dma_semaphore, #tpu.memory_space<semaphore_mem>>
      %dma_start3A_353 = tpu.memref_slice %arg3[%min3A_30] : memref<320000xi32, #tpu.memory_space<hbm>> -> memref<10496xi32, #tpu.memory_space<hbm>>
      %dma_start3A_354 = tpu.memref_slice %arg3[%min3A_30] : memref<320000xi32, #tpu.memory_space<hbm>> -> memref<10496xi32, #tpu.memory_space<hbm>>
      tpu.enqueue_dma source(%dma_start3A_354 : memref<10496xi32, #tpu.memory_space<hbm>>) target(%arg6 : memref<10496xi32, #tpu.memory_space<vmem>>) target_semaphore(%run_scoped3A : memref<!tpu.dma_semaphore, #tpu.memory_space<semaphore_mem>>)
      %dma_wait3A_355 = tpu.memref_slice %arg3[%min3A_30] : memref<320000xi32, #tpu.memory_space<hbm>> -> memref<10496xi32, #tpu.memory_space<hbm>>
      %dma_wait3A_356 = tpu.memref_slice %arg3[%min3A_30] : memref<320000xi32, #tpu.memory_space<hbm>> -> memref<10496xi32, #tpu.memory_space<hbm>>
      tpu.wait_dma2 semaphore(%run_scoped3A : memref<!tpu.dma_semaphore, #tpu.memory_space<semaphore_mem>>) src(%dma_wait3A_356 : memref<10496xi32, #tpu.memory_space<hbm>>) dst(%arg6 : memref<10496xi32, #tpu.memory_space<vmem>>)
      tpu.yield
    }) : () -> ()
    %dma_wait3A = arith.constant 0 : i32
    %dma_wait3A_31 = tpu.memref_slice %arg5[%mul3A_6, %dma_wait3A] : memref<10000x128xf32, #tpu.memory_space<vmem_shared>> -> memref<624x128xf32, #tpu.memory_space<vmem_shared>>
    %dma_wait3A_32 = arith.constant 0 : i32
    %dma_wait3A_33 = tpu.memref_slice %arg2[%mul3A_4, %dma_wait3A_32] : memref<10000x128xf32, #tpu.memory_space<hbm>> -> memref<624x128xf32, #tpu.memory_space<hbm>>
    tpu.wait_dma2 semaphore(%arg13 : memref<!tpu.dma_semaphore, #tpu.memory_space<semaphore_mem>>) src(%dma_wait3A_33 : memref<624x128xf32, #tpu.memory_space<hbm>>) dst(%dma_wait3A_31 : memref<624x128xf32, #tpu.memory_space<vmem_shared>>)
    %barrier3A = arith.constant 0 : index
    tpu.barrier barrier_id(%barrier3A)
    %add3A_34 = arith.constant 0 : i32
    %add3A_35 = arith.addi %mul3A_2, %add3A_34 : i32
    %add3A_36 = arith.constant 0 : i32
    %add3A_37 = arith.addi %add3A_35, %add3A_36 : i32
    %iota3A = tpu.iota {dimensions = array<i32: 0>} : vector<16xi32>
    %add3A_38 = vector.broadcast %add3A_37 : i32 to vector<16xi32>
    %add3A_39 = arith.addi %add3A_38, %iota3A : vector<16xi32>
    %and3A_40 = arith.constant 255 : i32
    %and3A_41 = vector.broadcast %and3A_40 : i32 to vector<16xi32>
    %and3A_42 = arith.andi %add3A_39, %and3A_41 : vector<16xi32>
    %sub3A_43 = arith.subi %add3A_39, %and3A_42 : vector<16xi32>
    %sub3A_44 = vector.broadcast %min3A_30 : i32 to vector<16xi32>
    %sub3A_45 = arith.subi %sub3A_43, %sub3A_44 : vector<16xi32>
    %and3A_46 = arith.constant 7 : i32
    %and3A_47 = vector.broadcast %and3A_46 : i32 to vector<16xi32>
    %and3A_48 = arith.andi %and3A_42, %and3A_47 : vector<16xi32>
    %mul3A_49 = arith.constant 32 : i32
    %mul3A_50 = vector.broadcast %mul3A_49 : i32 to vector<16xi32>
    %mul3A_51 = arith.muli %and3A_48, %mul3A_50 : vector<16xi32>
    %add3A_52 = arith.addi %sub3A_45, %mul3A_51 : vector<16xi32>
    %shift_right_arithmetic3A = arith.constant 3 : i32
    %shift_right_arithmetic3A_53 = vector.broadcast %shift_right_arithmetic3A : i32 to vector<16xi32>
    %shift_right_arithmetic3A_54 = arith.shrsi %and3A_42, %shift_right_arithmetic3A_53 : vector<16xi32>
    %add3A_55 = arith.addi %add3A_52, %shift_right_arithmetic3A_54 : vector<16xi32>
    %gather3A = tpu.vector_load_idx %arg6[%add3A_55] : memref<10496xi32, #tpu.memory_space<vmem>>[vector<16xi32>], vector<16xi32>,
    %swap3A = arith.constant 0 : index
    %swap3A_56 = tpu.vector_load %arg7[%swap3A] {strides = array<i32>} : memref<80xi32, #tpu.memory_space<vmem>>, vector<16xi32>,
    tpu.vector_store %arg7[%swap3A], %gather3A {strides = array<i32>} : memref<80xi32, #tpu.memory_space<vmem>>, vector<16xi32>,
    %add3A_57 = arith.constant 0 : i32
    %add3A_58 = arith.addi %mul3A_2, %add3A_57 : i32
    %add3A_59 = arith.constant 16 : i32
    %add3A_60 = arith.addi %add3A_58, %add3A_59 : i32
    %iota3A_61 = tpu.iota {dimensions = array<i32: 0>} : vector<16xi32>
    %add3A_62 = vector.broadcast %add3A_60 : i32 to vector<16xi32>
    %add3A_63 = arith.addi %add3A_62, %iota3A_61 : vector<16xi32>
    %and3A_64 = arith.constant 255 : i32
    %and3A_65 = vector.broadcast %and3A_64 : i32 to vector<16xi32>
    %and3A_66 = arith.andi %add3A_63, %and3A_65 : vector<16xi32>
    %sub3A_67 = arith.subi %add3A_63, %and3A_66 : vector<16xi32>
    %sub3A_68 = vector.broadcast %min3A_30 : i32 to vector<16xi32>
    %sub3A_69 = arith.subi %sub3A_67, %sub3A_68 : vector<16xi32>
    %and3A_70 = arith.constant 7 : i32
    %and3A_71 = vector.broadcast %and3A_70 : i32 to vector<16xi32>
    %and3A_72 = arith.andi %and3A_66, %and3A_71 : vector<16xi32>
    %mul3A_73 = arith.constant 32 : i32
    %mul3A_74 = vector.broadcast %mul3A_73 : i32 to vector<16xi32>
    %mul3A_75 = arith.muli %and3A_72, %mul3A_74 : vector<16xi32>
    %add3A_76 = arith.addi %sub3A_69, %mul3A_75 : vector<16xi32>
    %shift_right_arithmetic3A_77 = arith.constant 3 : i32
    %shift_right_arithmetic3A_78 = vector.broadcast %shift_right_arithmetic3A_77 : i32 to vector<16xi32>
    %shift_right_arithmetic3A_79 = arith.shrsi %and3A_66, %shift_right_arithmetic3A_78 : vector<16xi32>
    %add3A_80 = arith.addi %add3A_76, %shift_right_arithmetic3A_79 : vector<16xi32>
    %gather3A_81 = tpu.vector_load_idx %arg6[%add3A_80] : memref<10496xi32, #tpu.memory_space<vmem>>[vector<16xi32>], vector<16xi32>,
    %swap3A_82 = arith.constant 16 : index
    %swap3A_83 = tpu.vector_load %arg7[%swap3A_82] {strides = array<i32>} : memref<80xi32, #tpu.memory_space<vmem>>, vector<16xi32>,
    tpu.vector_store %arg7[%swap3A_82], %gather3A_81 {strides = array<i32>} : memref<80xi32, #tpu.memory_space<vmem>>, vector<16xi32>,
    %add3A_84 = arith.constant 0 : i32
    %add3A_85 = arith.addi %mul3A_2, %add3A_84 : i32
    %add3A_86 = arith.constant 32 : i32
    %add3A_87 = arith.addi %add3A_85, %add3A_86 : i32
    %iota3A_88 = tpu.iota {dimensions = array<i32: 0>} : vector<16xi32>
    %add3A_89 = vector.broadcast %add3A_87 : i32 to vector<16xi32>
    %add3A_90 = arith.addi %add3A_89, %iota3A_88 : vector<16xi32>
    %and3A_91 = arith.constant 255 : i32
    %and3A_92 = vector.broadcast %and3A_91 : i32 to vector<16xi32>
    %and3A_93 = arith.andi %add3A_90, %and3A_92 : vector<16xi32>
    %sub3A_94 = arith.subi %add3A_90, %and3A_93 : vector<16xi32>
    %sub3A_95 = vector.broadcast %min3A_30 : i32 to vector<16xi32>
    %sub3A_96 = arith.subi %sub3A_94, %sub3A_95 : vector<16xi32>
    %and3A_97 = arith.constant 7 : i32
    %and3A_98 = vector.broadcast %and3A_97 : i32 to vector<16xi32>
    %and3A_99 = arith.andi %and3A_93, %and3A_98 : vector<16xi32>
    %mul3A_100 = arith.constant 32 : i32
    %mul3A_101 = vector.broadcast %mul3A_100 : i32 to vector<16xi32>
    %mul3A_102 = arith.muli %and3A_99, %mul3A_101 : vector<16xi32>
    %add3A_103 = arith.addi %sub3A_96, %mul3A_102 : vector<16xi32>
    %shift_right_arithmetic3A_104 = arith.constant 3 : i32
    %shift_right_arithmetic3A_105 = vector.broadcast %shift_right_arithmetic3A_104 : i32 to vector<16xi32>
    %shift_right_arithmetic3A_106 = arith.shrsi %and3A_93, %shift_right_arithmetic3A_105 : vector<16xi32>
    %add3A_107 = arith.addi %add3A_103, %shift_right_arithmetic3A_106 : vector<16xi32>
    %gather3A_108 = tpu.vector_load_idx %arg6[%add3A_107] : memref<10496xi32, #tpu.memory_space<vmem>>[vector<16xi32>], vector<16xi32>,
    %swap3A_109 = arith.constant 32 : index
    %swap3A_110 = tpu.vector_load %arg7[%swap3A_109] {strides = array<i32>} : memref<80xi32, #tpu.memory_space<vmem>>, vector<16xi32>,
    tpu.vector_store %arg7[%swap3A_109], %gather3A_108 {strides = array<i32>} : memref<80xi32, #tpu.memory_space<vmem>>, vector<16xi32>,
    %add3A_111 = arith.constant 0 : i32
    %add3A_112 = arith.addi %mul3A_2, %add3A_111 : i32
    %add3A_113 = arith.constant 48 : i32
    %add3A_114 = arith.addi %add3A_112, %add3A_113 : i32
    %iota3A_115 = tpu.iota {dimensions = array<i32: 0>} : vector<16xi32>
    %add3A_116 = vector.broadcast %add3A_114 : i32 to vector<16xi32>
    %add3A_117 = arith.addi %add3A_116, %iota3A_115 : vector<16xi32>
    %and3A_118 = arith.constant 255 : i32
    %and3A_119 = vector.broadcast %and3A_118 : i32 to vector<16xi32>
    %and3A_120 = arith.andi %add3A_117, %and3A_119 : vector<16xi32>
    %sub3A_121 = arith.subi %add3A_117, %and3A_120 : vector<16xi32>
    %sub3A_122 = vector.broadcast %min3A_30 : i32 to vector<16xi32>
    %sub3A_123 = arith.subi %sub3A_121, %sub3A_122 : vector<16xi32>
    %and3A_124 = arith.constant 7 : i32
    %and3A_125 = vector.broadcast %and3A_124 : i32 to vector<16xi32>
    %and3A_126 = arith.andi %and3A_120, %and3A_125 : vector<16xi32>
    %mul3A_127 = arith.constant 32 : i32
    %mul3A_128 = vector.broadcast %mul3A_127 : i32 to vector<16xi32>
    %mul3A_129 = arith.muli %and3A_126, %mul3A_128 : vector<16xi32>
    %add3A_130 = arith.addi %sub3A_123, %mul3A_129 : vector<16xi32>
    %shift_right_arithmetic3A_131 = arith.constant 3 : i32
    %shift_right_arithmetic3A_132 = vector.broadcast %shift_right_arithmetic3A_131 : i32 to vector<16xi32>
    %shift_right_arithmetic3A_133 = arith.shrsi %and3A_120, %shift_right_arithmetic3A_132 : vector<16xi32>
    %add3A_134 = arith.addi %add3A_130, %shift_right_arithmetic3A_133 : vector<16xi32>
    %gather3A_135 = tpu.vector_load_idx %arg6[%add3A_134] : memref<10496xi32, #tpu.memory_space<vmem>>[vector<16xi32>], vector<16xi32>,
    %swap3A_136 = arith.constant 48 : index
    %swap3A_137 = tpu.vector_load %arg7[%swap3A_136] {strides = array<i32>} : memref<80xi32, #tpu.memory_space<vmem>>, vector<16xi32>,
    tpu.vector_store %arg7[%swap3A_136], %gather3A_135 {strides = array<i32>} : memref<80xi32, #tpu.memory_space<vmem>>, vector<16xi32>,
    %add3A_138 = arith.constant 0 : i32
    %add3A_139 = arith.addi %mul3A_2, %add3A_138 : i32
    %add3A_140 = arith.constant 64 : i32
    %add3A_141 = arith.addi %add3A_139, %add3A_140 : i32
    %iota3A_142 = tpu.iota {dimensions = array<i32: 0>} : vector<16xi32>
    %add3A_143 = vector.broadcast %add3A_141 : i32 to vector<16xi32>
    %add3A_144 = arith.addi %add3A_143, %iota3A_142 : vector<16xi32>
    %and3A_145 = arith.constant 255 : i32
    %and3A_146 = vector.broadcast %and3A_145 : i32 to vector<16xi32>
    %and3A_147 = arith.andi %add3A_144, %and3A_146 : vector<16xi32>
    %sub3A_148 = arith.subi %add3A_144, %and3A_147 : vector<16xi32>
    %sub3A_149 = vector.broadcast %min3A_30 : i32 to vector<16xi32>
    %sub3A_150 = arith.subi %sub3A_148, %sub3A_149 : vector<16xi32>
    %and3A_151 = arith.constant 7 : i32
    %and3A_152 = vector.broadcast %and3A_151 : i32 to vector<16xi32>
    %and3A_153 = arith.andi %and3A_147, %and3A_152 : vector<16xi32>
    %mul3A_154 = arith.constant 32 : i32
    %mul3A_155 = vector.broadcast %mul3A_154 : i32 to vector<16xi32>
    %mul3A_156 = arith.muli %and3A_153, %mul3A_155 : vector<16xi32>
    %add3A_157 = arith.addi %sub3A_150, %mul3A_156 : vector<16xi32>
    %shift_right_arithmetic3A_158 = arith.constant 3 : i32
    %shift_right_arithmetic3A_159 = vector.broadcast %shift_right_arithmetic3A_158 : i32 to vector<16xi32>
    %shift_right_arithmetic3A_160 = arith.shrsi %and3A_147, %shift_right_arithmetic3A_159 : vector<16xi32>
    %add3A_161 = arith.addi %add3A_157, %shift_right_arithmetic3A_160 : vector<16xi32>
    %gather3A_162 = tpu.vector_load_idx %arg6[%add3A_161] : memref<10496xi32, #tpu.memory_space<vmem>>[vector<16xi32>], vector<16xi32>,
    %swap3A_163 = arith.constant 64 : index
    %swap3A_164 = tpu.vector_load %arg7[%swap3A_163] {strides = array<i32>} : memref<80xi32, #tpu.memory_space<vmem>>, vector<16xi32>,
    tpu.vector_store %arg7[%swap3A_163], %gather3A_162 {strides = array<i32>} : memref<80xi32, #tpu.memory_space<vmem>>, vector<16xi32>,
    %dma_start3A_165 = arith.constant 0 : i32
    %dma_start3A_166 = arith.constant 0 : i32
    %dma_start3A_167 = tpu.memref_slice %arg5[%dma_start3A_165, %dma_start3A_166] : memref<10000x128xf32, #tpu.memory_space<vmem_shared>> -> memref<10000x128xf32, #tpu.memory_space<vmem_shared>>
    tpu.enqueue_indirect_dma source(%dma_start3A_167 : memref<10000x128xf32, #tpu.memory_space<vmem_shared>>) target(%arg10 : memref<80x128xf32, #tpu.memory_space<vmem>>) offsets(%arg7 : memref<80xi32, #tpu.memory_space<vmem>>) semaphore(%arg13 : memref<!tpu.dma_semaphore, #tpu.memory_space<semaphore_mem>>)
    %scan3A = arith.constant 0 : i32
    %scan3A_168 = arith.constant 0 : i32
    %scan3A_169 = arith.constant 41 : i32
    %scan3A_170 = arith.addi %scan3A_168, %scan3A_169 : i32
    %scan3A_171 = arith.constant 1 : i32
    scf.for %scan3A_353 = %scan3A_168 to %scan3A_170 step %scan3A_171  : i32 {
      %mul3A_354 = arith.constant 3 : i32
      %mul3A_355 = arith.muli %scan3A_353, %mul3A_354 : i32
      %add3A_356 = arith.constant 1 : i32
      %add3A_357 = arith.addi %mul3A_355, %add3A_356 : i32
      %ge3A = arith.constant 3 : i32
      %ge3A_358 = arith.cmpi sge, %add3A_357, %ge3A : i32
      %convert_element_type3A_359 = arith.extui %ge3A_358 : i1 to i32
      %cond3A_360 = arith.constant 0 : i32
      %cond3A_361 = arith.cmpi ne, %convert_element_type3A_359, %cond3A_360 : i32
      scf.if %cond3A_361 {
        %sub3A_841 = arith.constant 3 : i32
        %sub3A_842 = arith.subi %add3A_357, %sub3A_841 : i32
        %mul3A_843 = arith.constant 80 : i32
        %mul3A_844 = arith.muli %sub3A_842, %mul3A_843 : i32
        %add3A_845 = arith.addi %mul3A_2, %mul3A_844 : i32
        %dma_wait3A_846 = arith.constant 0 : i32
        %dma_wait3A_847 = tpu.memref_slice %arg4[%add3A_845, %dma_wait3A_846] : memref<320000x128xf32, #tpu.memory_space<hbm>> -> memref<80x128xf32, #tpu.memory_space<hbm>>
        %dma_wait3A_848 = arith.constant 0 : i32
        %dma_wait3A_849 = tpu.memref_slice %arg4[%add3A_845, %dma_wait3A_848] : memref<320000x128xf32, #tpu.memory_space<hbm>> -> memref<80x128xf32, #tpu.memory_space<hbm>>
        tpu.wait_dma2 semaphore(%arg17 : memref<!tpu.dma_semaphore, #tpu.memory_space<semaphore_mem>>) src(%arg11 : memref<80x128xf32, #tpu.memory_space<vmem>>) dst(%dma_wait3A_849 : memref<80x128xf32, #tpu.memory_space<hbm>>)
      } else {
      }
      %mul3A_362 = arith.constant 80 : i32
      %mul3A_363 = arith.muli %add3A_357, %mul3A_362 : i32
      %add3A_364 = arith.addi %mul3A_2, %mul3A_363 : i32
      %add3A_365 = arith.constant 0 : i32
      %add3A_366 = arith.addi %add3A_364, %add3A_365 : i32
      %iota3A_367 = tpu.iota {dimensions = array<i32: 0>} : vector<16xi32>
      %add3A_368 = vector.broadcast %add3A_366 : i32 to vector<16xi32>
      %add3A_369 = arith.addi %add3A_368, %iota3A_367 : vector<16xi32>
      %and3A_370 = arith.constant 255 : i32
      %and3A_371 = vector.broadcast %and3A_370 : i32 to vector<16xi32>
      %and3A_372 = arith.andi %add3A_369, %and3A_371 : vector<16xi32>
      %sub3A_373 = arith.subi %add3A_369, %and3A_372 : vector<16xi32>
      %sub3A_374 = vector.broadcast %min3A_30 : i32 to vector<16xi32>
      %sub3A_375 = arith.subi %sub3A_373, %sub3A_374 : vector<16xi32>
      %and3A_376 = arith.constant 7 : i32
      %and3A_377 = vector.broadcast %and3A_376 : i32 to vector<16xi32>
      %and3A_378 = arith.andi %and3A_372, %and3A_377 : vector<16xi32>
      %mul3A_379 = arith.constant 32 : i32
      %mul3A_380 = vector.broadcast %mul3A_379 : i32 to vector<16xi32>
      %mul3A_381 = arith.muli %and3A_378, %mul3A_380 : vector<16xi32>
      %add3A_382 = arith.addi %sub3A_375, %mul3A_381 : vector<16xi32>
      %shift_right_arithmetic3A_383 = arith.constant 3 : i32
      %shift_right_arithmetic3A_384 = vector.broadcast %shift_right_arithmetic3A_383 : i32 to vector<16xi32>
      %shift_right_arithmetic3A_385 = arith.shrsi %and3A_372, %shift_right_arithmetic3A_384 : vector<16xi32>
      %add3A_386 = arith.addi %add3A_382, %shift_right_arithmetic3A_385 : vector<16xi32>
      %gather3A_387 = tpu.vector_load_idx %arg6[%add3A_386] : memref<10496xi32, #tpu.memory_space<vmem>>[vector<16xi32>], vector<16xi32>,
      %swap3A_388 = arith.constant 0 : index
      %swap3A_389 = tpu.vector_load %arg8[%swap3A_388] {strides = array<i32>} : memref<80xi32, #tpu.memory_space<vmem>>, vector<16xi32>,
      tpu.vector_store %arg8[%swap3A_388], %gather3A_387 {strides = array<i32>} : memref<80xi32, #tpu.memory_space<vmem>>, vector<16xi32>,
      %mul3A_390 = arith.constant 80 : i32
      %mul3A_391 = arith.muli %add3A_357, %mul3A_390 : i32
      %add3A_392 = arith.addi %mul3A_2, %mul3A_391 : i32
      %add3A_393 = arith.constant 16 : i32
      %add3A_394 = arith.addi %add3A_392, %add3A_393 : i32
      %iota3A_395 = tpu.iota {dimensions = array<i32: 0>} : vector<16xi32>
      %add3A_396 = vector.broadcast %add3A_394 : i32 to vector<16xi32>
      %add3A_397 = arith.addi %add3A_396, %iota3A_395 : vector<16xi32>
      %and3A_398 = arith.constant 255 : i32
      %and3A_399 = vector.broadcast %and3A_398 : i32 to vector<16xi32>
      %and3A_400 = arith.andi %add3A_397, %and3A_399 : vector<16xi32>
      %sub3A_401 = arith.subi %add3A_397, %and3A_400 : vector<16xi32>
      %sub3A_402 = vector.broadcast %min3A_30 : i32 to vector<16xi32>
      %sub3A_403 = arith.subi %sub3A_401, %sub3A_402 : vector<16xi32>
      %and3A_404 = arith.constant 7 : i32
      %and3A_405 = vector.broadcast %and3A_404 : i32 to vector<16xi32>
      %and3A_406 = arith.andi %and3A_400, %and3A_405 : vector<16xi32>
      %mul3A_407 = arith.constant 32 : i32
      %mul3A_408 = vector.broadcast %mul3A_407 : i32 to vector<16xi32>
      %mul3A_409 = arith.muli %and3A_406, %mul3A_408 : vector<16xi32>
      %add3A_410 = arith.addi %sub3A_403, %mul3A_409 : vector<16xi32>
      %shift_right_arithmetic3A_411 = arith.constant 3 : i32
      %shift_right_arithmetic3A_412 = vector.broadcast %shift_right_arithmetic3A_411 : i32 to vector<16xi32>
      %shift_right_arithmetic3A_413 = arith.shrsi %and3A_400, %shift_right_arithmetic3A_412 : vector<16xi32>
      %add3A_414 = arith.addi %add3A_410, %shift_right_arithmetic3A_413 : vector<16xi32>
      %gather3A_415 = tpu.vector_load_idx %arg6[%add3A_414] : memref<10496xi32, #tpu.memory_space<vmem>>[vector<16xi32>], vector<16xi32>,
      %swap3A_416 = arith.constant 16 : index
      %swap3A_417 = tpu.vector_load %arg8[%swap3A_416] {strides = array<i32>} : memref<80xi32, #tpu.memory_space<vmem>>, vector<16xi32>,
      tpu.vector_store %arg8[%swap3A_416], %gather3A_415 {strides = array<i32>} : memref<80xi32, #tpu.memory_space<vmem>>, vector<16xi32>,
      %mul3A_418 = arith.constant 80 : i32
      %mul3A_419 = arith.muli %add3A_357, %mul3A_418 : i32
      %add3A_420 = arith.addi %mul3A_2, %mul3A_419 : i32
      %add3A_421 = arith.constant 32 : i32
      %add3A_422 = arith.addi %add3A_420, %add3A_421 : i32
      %iota3A_423 = tpu.iota {dimensions = array<i32: 0>} : vector<16xi32>
      %add3A_424 = vector.broadcast %add3A_422 : i32 to vector<16xi32>
      %add3A_425 = arith.addi %add3A_424, %iota3A_423 : vector<16xi32>
      %and3A_426 = arith.constant 255 : i32
      %and3A_427 = vector.broadcast %and3A_426 : i32 to vector<16xi32>
      %and3A_428 = arith.andi %add3A_425, %and3A_427 : vector<16xi32>
      %sub3A_429 = arith.subi %add3A_425, %and3A_428 : vector<16xi32>
      %sub3A_430 = vector.broadcast %min3A_30 : i32 to vector<16xi32>
      %sub3A_431 = arith.subi %sub3A_429, %sub3A_430 : vector<16xi32>
      %and3A_432 = arith.constant 7 : i32
      %and3A_433 = vector.broadcast %and3A_432 : i32 to vector<16xi32>
      %and3A_434 = arith.andi %and3A_428, %and3A_433 : vector<16xi32>
      %mul3A_435 = arith.constant 32 : i32
      %mul3A_436 = vector.broadcast %mul3A_435 : i32 to vector<16xi32>
      %mul3A_437 = arith.muli %and3A_434, %mul3A_436 : vector<16xi32>
      %add3A_438 = arith.addi %sub3A_431, %mul3A_437 : vector<16xi32>
      %shift_right_arithmetic3A_439 = arith.constant 3 : i32
      %shift_right_arithmetic3A_440 = vector.broadcast %shift_right_arithmetic3A_439 : i32 to vector<16xi32>
      %shift_right_arithmetic3A_441 = arith.shrsi %and3A_428, %shift_right_arithmetic3A_440 : vector<16xi32>
      %add3A_442 = arith.addi %add3A_438, %shift_right_arithmetic3A_441 : vector<16xi32>
      %gather3A_443 = tpu.vector_load_idx %arg6[%add3A_442] : memref<10496xi32, #tpu.memory_space<vmem>>[vector<16xi32>], vector<16xi32>,
      %swap3A_444 = arith.constant 32 : index
      %swap3A_445 = tpu.vector_load %arg8[%swap3A_444] {strides = array<i32>} : memref<80xi32, #tpu.memory_space<vmem>>, vector<16xi32>,
      tpu.vector_store %arg8[%swap3A_444], %gather3A_443 {strides = array<i32>} : memref<80xi32, #tpu.memory_space<vmem>>, vector<16xi32>,
      %mul3A_446 = arith.constant 80 : i32
      %mul3A_447 = arith.muli %add3A_357, %mul3A_446 : i32
      %add3A_448 = arith.addi %mul3A_2, %mul3A_447 : i32
      %add3A_449 = arith.constant 48 : i32
      %add3A_450 = arith.addi %add3A_448, %add3A_449 : i32
      %iota3A_451 = tpu.iota {dimensions = array<i32: 0>} : vector<16xi32>
      %add3A_452 = vector.broadcast %add3A_450 : i32 to vector<16xi32>
      %add3A_453 = arith.addi %add3A_452, %iota3A_451 : vector<16xi32>
      %and3A_454 = arith.constant 255 : i32
      %and3A_455 = vector.broadcast %and3A_454 : i32 to vector<16xi32>
      %and3A_456 = arith.andi %add3A_453, %and3A_455 : vector<16xi32>
      %sub3A_457 = arith.subi %add3A_453, %and3A_456 : vector<16xi32>
      %sub3A_458 = vector.broadcast %min3A_30 : i32 to vector<16xi32>
      %sub3A_459 = arith.subi %sub3A_457, %sub3A_458 : vector<16xi32>
      %and3A_460 = arith.constant 7 : i32
      %and3A_461 = vector.broadcast %and3A_460 : i32 to vector<16xi32>
      %and3A_462 = arith.andi %and3A_456, %and3A_461 : vector<16xi32>
      %mul3A_463 = arith.constant 32 : i32
      %mul3A_464 = vector.broadcast %mul3A_463 : i32 to vector<16xi32>
      %mul3A_465 = arith.muli %and3A_462, %mul3A_464 : vector<16xi32>
      %add3A_466 = arith.addi %sub3A_459, %mul3A_465 : vector<16xi32>
      %shift_right_arithmetic3A_467 = arith.constant 3 : i32
      %shift_right_arithmetic3A_468 = vector.broadcast %shift_right_arithmetic3A_467 : i32 to vector<16xi32>
      %shift_right_arithmetic3A_469 = arith.shrsi %and3A_456, %shift_right_arithmetic3A_468 : vector<16xi32>
      %add3A_470 = arith.addi %add3A_466, %shift_right_arithmetic3A_469 : vector<16xi32>
      %gather3A_471 = tpu.vector_load_idx %arg6[%add3A_470] : memref<10496xi32, #tpu.memory_space<vmem>>[vector<16xi32>], vector<16xi32>,
      %swap3A_472 = arith.constant 48 : index
      %swap3A_473 = tpu.vector_load %arg8[%swap3A_472] {strides = array<i32>} : memref<80xi32, #tpu.memory_space<vmem>>, vector<16xi32>,
      tpu.vector_store %arg8[%swap3A_472], %gather3A_471 {strides = array<i32>} : memref<80xi32, #tpu.memory_space<vmem>>, vector<16xi32>,
      %mul3A_474 = arith.constant 80 : i32
      %mul3A_475 = arith.muli %add3A_357, %mul3A_474 : i32
      %add3A_476 = arith.addi %mul3A_2, %mul3A_475 : i32
      %add3A_477 = arith.constant 64 : i32
      %add3A_478 = arith.addi %add3A_476, %add3A_477 : i32
      %iota3A_479 = tpu.iota {dimensions = array<i32: 0>} : vector<16xi32>
      %add3A_480 = vector.broadcast %add3A_478 : i32 to vector<16xi32>
      %add3A_481 = arith.addi %add3A_480, %iota3A_479 : vector<16xi32>
      %and3A_482 = arith.constant 255 : i32
      %and3A_483 = vector.broadcast %and3A_482 : i32 to vector<16xi32>
      %and3A_484 = arith.andi %add3A_481, %and3A_483 : vector<16xi32>
      %sub3A_485 = arith.subi %add3A_481, %and3A_484 : vector<16xi32>
      %sub3A_486 = vector.broadcast %min3A_30 : i32 to vector<16xi32>
      %sub3A_487 = arith.subi %sub3A_485, %sub3A_486 : vector<16xi32>
      %and3A_488 = arith.constant 7 : i32
      %and3A_489 = vector.broadcast %and3A_488 : i32 to vector<16xi32>
      %and3A_490 = arith.andi %and3A_484, %and3A_489 : vector<16xi32>
      %mul3A_491 = arith.constant 32 : i32
      %mul3A_492 = vector.broadcast %mul3A_491 : i32 to vector<16xi32>
      %mul3A_493 = arith.muli %and3A_490, %mul3A_492 : vector<16xi32>
      %add3A_494 = arith.addi %sub3A_487, %mul3A_493 : vector<16xi32>
      %shift_right_arithmetic3A_495 = arith.constant 3 : i32
      %shift_right_arithmetic3A_496 = vector.broadcast %shift_right_arithmetic3A_495 : i32 to vector<16xi32>
      %shift_right_arithmetic3A_497 = arith.shrsi %and3A_484, %shift_right_arithmetic3A_496 : vector<16xi32>
      %add3A_498 = arith.addi %add3A_494, %shift_right_arithmetic3A_497 : vector<16xi32>
      %gather3A_499 = tpu.vector_load_idx %arg6[%add3A_498] : memref<10496xi32, #tpu.memory_space<vmem>>[vector<16xi32>], vector<16xi32>,
      %swap3A_500 = arith.constant 64 : index
      %swap3A_501 = tpu.vector_load %arg8[%swap3A_500] {strides = array<i32>} : memref<80xi32, #tpu.memory_space<vmem>>, vector<16xi32>,
      tpu.vector_store %arg8[%swap3A_500], %gather3A_499 {strides = array<i32>} : memref<80xi32, #tpu.memory_space<vmem>>, vector<16xi32>,
      %dma_start3A_502 = arith.constant 0 : i32
      %dma_start3A_503 = arith.constant 0 : i32
      %dma_start3A_504 = tpu.memref_slice %arg5[%dma_start3A_502, %dma_start3A_503] : memref<10000x128xf32, #tpu.memory_space<vmem_shared>> -> memref<10000x128xf32, #tpu.memory_space<vmem_shared>>
      tpu.enqueue_indirect_dma source(%dma_start3A_504 : memref<10000x128xf32, #tpu.memory_space<vmem_shared>>) target(%arg11 : memref<80x128xf32, #tpu.memory_space<vmem>>) offsets(%arg8 : memref<80xi32, #tpu.memory_space<vmem>>) semaphore(%arg14 : memref<!tpu.dma_semaphore, #tpu.memory_space<semaphore_mem>>)
      %dma_wait3A_505 = arith.constant 0 : i32
      %dma_wait3A_506 = arith.constant 0 : i32
      %dma_wait3A_507 = tpu.memref_slice %arg5[%dma_wait3A_505, %dma_wait3A_506] : memref<10000x128xf32, #tpu.memory_space<vmem_shared>> -> memref<10000x128xf32, #tpu.memory_space<vmem_shared>>
      tpu.wait_indirect_dma semaphore(%arg13 : memref<!tpu.dma_semaphore, #tpu.memory_space<semaphore_mem>>) src(%dma_wait3A_507 : memref<10000x128xf32, #tpu.memory_space<vmem_shared>>) dst(%arg10 : memref<80x128xf32, #tpu.memory_space<vmem>>)
      %sub3A_508 = arith.constant 1 : i32
      %sub3A_509 = arith.subi %add3A_357, %sub3A_508 : i32
      %mul3A_510 = arith.constant 80 : i32
      %mul3A_511 = arith.muli %sub3A_509, %mul3A_510 : i32
      %add3A_512 = arith.addi %mul3A_2, %mul3A_511 : i32
      %dma_start3A_513 = arith.constant 0 : i32
      %dma_start3A_514 = tpu.memref_slice %arg4[%add3A_512, %dma_start3A_513] : memref<320000x128xf32, #tpu.memory_space<hbm>> -> memref<80x128xf32, #tpu.memory_space<hbm>>
      %dma_start3A_515 = arith.constant 0 : i32
      %dma_start3A_516 = tpu.memref_slice %arg4[%add3A_512, %dma_start3A_515] : memref<320000x128xf32, #tpu.memory_space<hbm>> -> memref<80x128xf32, #tpu.memory_space<hbm>>
      tpu.enqueue_dma source(%arg10 : memref<80x128xf32, #tpu.memory_space<vmem>>) target(%dma_start3A_516 : memref<80x128xf32, #tpu.memory_space<hbm>>) target_semaphore(%arg16 : memref<!tpu.dma_semaphore, #tpu.memory_space<semaphore_mem>>)
      %add3A_517 = arith.constant 2 : i32
      %add3A_518 = arith.addi %mul3A_355, %add3A_517 : i32
      %ge3A_519 = arith.constant 3 : i32
      %ge3A_520 = arith.cmpi sge, %add3A_518, %ge3A_519 : i32
      %convert_element_type3A_521 = arith.extui %ge3A_520 : i1 to i32
      %cond3A_522 = arith.constant 0 : i32
      %cond3A_523 = arith.cmpi ne, %convert_element_type3A_521, %cond3A_522 : i32
      scf.if %cond3A_523 {
        %sub3A_841 = arith.constant 3 : i32
        %sub3A_842 = arith.subi %add3A_518, %sub3A_841 : i32
        %mul3A_843 = arith.constant 80 : i32
        %mul3A_844 = arith.muli %sub3A_842, %mul3A_843 : i32
        %add3A_845 = arith.addi %mul3A_2, %mul3A_844 : i32
        %dma_wait3A_846 = arith.constant 0 : i32
        %dma_wait3A_847 = tpu.memref_slice %arg4[%add3A_845, %dma_wait3A_846] : memref<320000x128xf32, #tpu.memory_space<hbm>> -> memref<80x128xf32, #tpu.memory_space<hbm>>
        %dma_wait3A_848 = arith.constant 0 : i32
        %dma_wait3A_849 = tpu.memref_slice %arg4[%add3A_845, %dma_wait3A_848] : memref<320000x128xf32, #tpu.memory_space<hbm>> -> memref<80x128xf32, #tpu.memory_space<hbm>>
        tpu.wait_dma2 semaphore(%arg18 : memref<!tpu.dma_semaphore, #tpu.memory_space<semaphore_mem>>) src(%arg12 : memref<80x128xf32, #tpu.memory_space<vmem>>) dst(%dma_wait3A_849 : memref<80x128xf32, #tpu.memory_space<hbm>>)
      } else {
      }
      %mul3A_524 = arith.constant 80 : i32
      %mul3A_525 = arith.muli %add3A_518, %mul3A_524 : i32
      %add3A_526 = arith.addi %mul3A_2, %mul3A_525 : i32
      %add3A_527 = arith.constant 0 : i32
      %add3A_528 = arith.addi %add3A_526, %add3A_527 : i32
      %iota3A_529 = tpu.iota {dimensions = array<i32: 0>} : vector<16xi32>
      %add3A_530 = vector.broadcast %add3A_528 : i32 to vector<16xi32>
      %add3A_531 = arith.addi %add3A_530, %iota3A_529 : vector<16xi32>
      %and3A_532 = arith.constant 255 : i32
      %and3A_533 = vector.broadcast %and3A_532 : i32 to vector<16xi32>
      %and3A_534 = arith.andi %add3A_531, %and3A_533 : vector<16xi32>
      %sub3A_535 = arith.subi %add3A_531, %and3A_534 : vector<16xi32>
      %sub3A_536 = vector.broadcast %min3A_30 : i32 to vector<16xi32>
      %sub3A_537 = arith.subi %sub3A_535, %sub3A_536 : vector<16xi32>
      %and3A_538 = arith.constant 7 : i32
      %and3A_539 = vector.broadcast %and3A_538 : i32 to vector<16xi32>
      %and3A_540 = arith.andi %and3A_534, %and3A_539 : vector<16xi32>
      %mul3A_541 = arith.constant 32 : i32
      %mul3A_542 = vector.broadcast %mul3A_541 : i32 to vector<16xi32>
      %mul3A_543 = arith.muli %and3A_540, %mul3A_542 : vector<16xi32>
      %add3A_544 = arith.addi %sub3A_537, %mul3A_543 : vector<16xi32>
      %shift_right_arithmetic3A_545 = arith.constant 3 : i32
      %shift_right_arithmetic3A_546 = vector.broadcast %shift_right_arithmetic3A_545 : i32 to vector<16xi32>
      %shift_right_arithmetic3A_547 = arith.shrsi %and3A_534, %shift_right_arithmetic3A_546 : vector<16xi32>
      %add3A_548 = arith.addi %add3A_544, %shift_right_arithmetic3A_547 : vector<16xi32>
      %gather3A_549 = tpu.vector_load_idx %arg6[%add3A_548] : memref<10496xi32, #tpu.memory_space<vmem>>[vector<16xi32>], vector<16xi32>,
      %swap3A_550 = arith.constant 0 : index
      %swap3A_551 = tpu.vector_load %arg9[%swap3A_550] {strides = array<i32>} : memref<80xi32, #tpu.memory_space<vmem>>, vector<16xi32>,
      tpu.vector_store %arg9[%swap3A_550], %gather3A_549 {strides = array<i32>} : memref<80xi32, #tpu.memory_space<vmem>>, vector<16xi32>,
      %mul3A_552 = arith.constant 80 : i32
      %mul3A_553 = arith.muli %add3A_518, %mul3A_552 : i32
      %add3A_554 = arith.addi %mul3A_2, %mul3A_553 : i32
      %add3A_555 = arith.constant 16 : i32
      %add3A_556 = arith.addi %add3A_554, %add3A_555 : i32
      %iota3A_557 = tpu.iota {dimensions = array<i32: 0>} : vector<16xi32>
      %add3A_558 = vector.broadcast %add3A_556 : i32 to vector<16xi32>
      %add3A_559 = arith.addi %add3A_558, %iota3A_557 : vector<16xi32>
      %and3A_560 = arith.constant 255 : i32
      %and3A_561 = vector.broadcast %and3A_560 : i32 to vector<16xi32>
      %and3A_562 = arith.andi %add3A_559, %and3A_561 : vector<16xi32>
      %sub3A_563 = arith.subi %add3A_559, %and3A_562 : vector<16xi32>
      %sub3A_564 = vector.broadcast %min3A_30 : i32 to vector<16xi32>
      %sub3A_565 = arith.subi %sub3A_563, %sub3A_564 : vector<16xi32>
      %and3A_566 = arith.constant 7 : i32
      %and3A_567 = vector.broadcast %and3A_566 : i32 to vector<16xi32>
      %and3A_568 = arith.andi %and3A_562, %and3A_567 : vector<16xi32>
      %mul3A_569 = arith.constant 32 : i32
      %mul3A_570 = vector.broadcast %mul3A_569 : i32 to vector<16xi32>
      %mul3A_571 = arith.muli %and3A_568, %mul3A_570 : vector<16xi32>
      %add3A_572 = arith.addi %sub3A_565, %mul3A_571 : vector<16xi32>
      %shift_right_arithmetic3A_573 = arith.constant 3 : i32
      %shift_right_arithmetic3A_574 = vector.broadcast %shift_right_arithmetic3A_573 : i32 to vector<16xi32>
      %shift_right_arithmetic3A_575 = arith.shrsi %and3A_562, %shift_right_arithmetic3A_574 : vector<16xi32>
      %add3A_576 = arith.addi %add3A_572, %shift_right_arithmetic3A_575 : vector<16xi32>
      %gather3A_577 = tpu.vector_load_idx %arg6[%add3A_576] : memref<10496xi32, #tpu.memory_space<vmem>>[vector<16xi32>], vector<16xi32>,
      %swap3A_578 = arith.constant 16 : index
      %swap3A_579 = tpu.vector_load %arg9[%swap3A_578] {strides = array<i32>} : memref<80xi32, #tpu.memory_space<vmem>>, vector<16xi32>,
      tpu.vector_store %arg9[%swap3A_578], %gather3A_577 {strides = array<i32>} : memref<80xi32, #tpu.memory_space<vmem>>, vector<16xi32>,
      %mul3A_580 = arith.constant 80 : i32
      %mul3A_581 = arith.muli %add3A_518, %mul3A_580 : i32
      %add3A_582 = arith.addi %mul3A_2, %mul3A_581 : i32
      %add3A_583 = arith.constant 32 : i32
      %add3A_584 = arith.addi %add3A_582, %add3A_583 : i32
      %iota3A_585 = tpu.iota {dimensions = array<i32: 0>} : vector<16xi32>
      %add3A_586 = vector.broadcast %add3A_584 : i32 to vector<16xi32>
      %add3A_587 = arith.addi %add3A_586, %iota3A_585 : vector<16xi32>
      %and3A_588 = arith.constant 255 : i32
      %and3A_589 = vector.broadcast %and3A_588 : i32 to vector<16xi32>
      %and3A_590 = arith.andi %add3A_587, %and3A_589 : vector<16xi32>
      %sub3A_591 = arith.subi %add3A_587, %and3A_590 : vector<16xi32>
      %sub3A_592 = vector.broadcast %min3A_30 : i32 to vector<16xi32>
      %sub3A_593 = arith.subi %sub3A_591, %sub3A_592 : vector<16xi32>
      %and3A_594 = arith.constant 7 : i32
      %and3A_595 = vector.broadcast %and3A_594 : i32 to vector<16xi32>
      %and3A_596 = arith.andi %and3A_590, %and3A_595 : vector<16xi32>
      %mul3A_597 = arith.constant 32 : i32
      %mul3A_598 = vector.broadcast %mul3A_597 : i32 to vector<16xi32>
      %mul3A_599 = arith.muli %and3A_596, %mul3A_598 : vector<16xi32>
      %add3A_600 = arith.addi %sub3A_593, %mul3A_599 : vector<16xi32>
      %shift_right_arithmetic3A_601 = arith.constant 3 : i32
      %shift_right_arithmetic3A_602 = vector.broadcast %shift_right_arithmetic3A_601 : i32 to vector<16xi32>
      %shift_right_arithmetic3A_603 = arith.shrsi %and3A_590, %shift_right_arithmetic3A_602 : vector<16xi32>
      %add3A_604 = arith.addi %add3A_600, %shift_right_arithmetic3A_603 : vector<16xi32>
      %gather3A_605 = tpu.vector_load_idx %arg6[%add3A_604] : memref<10496xi32, #tpu.memory_space<vmem>>[vector<16xi32>], vector<16xi32>,
      %swap3A_606 = arith.constant 32 : index
      %swap3A_607 = tpu.vector_load %arg9[%swap3A_606] {strides = array<i32>} : memref<80xi32, #tpu.memory_space<vmem>>, vector<16xi32>,
      tpu.vector_store %arg9[%swap3A_606], %gather3A_605 {strides = array<i32>} : memref<80xi32, #tpu.memory_space<vmem>>, vector<16xi32>,
      %mul3A_608 = arith.constant 80 : i32
      %mul3A_609 = arith.muli %add3A_518, %mul3A_608 : i32
      %add3A_610 = arith.addi %mul3A_2, %mul3A_609 : i32
      %add3A_611 = arith.constant 48 : i32
      %add3A_612 = arith.addi %add3A_610, %add3A_611 : i32
      %iota3A_613 = tpu.iota {dimensions = array<i32: 0>} : vector<16xi32>
      %add3A_614 = vector.broadcast %add3A_612 : i32 to vector<16xi32>
      %add3A_615 = arith.addi %add3A_614, %iota3A_613 : vector<16xi32>
      %and3A_616 = arith.constant 255 : i32
      %and3A_617 = vector.broadcast %and3A_616 : i32 to vector<16xi32>
      %and3A_618 = arith.andi %add3A_615, %and3A_617 : vector<16xi32>
      %sub3A_619 = arith.subi %add3A_615, %and3A_618 : vector<16xi32>
      %sub3A_620 = vector.broadcast %min3A_30 : i32 to vector<16xi32>
      %sub3A_621 = arith.subi %sub3A_619, %sub3A_620 : vector<16xi32>
      %and3A_622 = arith.constant 7 : i32
      %and3A_623 = vector.broadcast %and3A_622 : i32 to vector<16xi32>
      %and3A_624 = arith.andi %and3A_618, %and3A_623 : vector<16xi32>
      %mul3A_625 = arith.constant 32 : i32
      %mul3A_626 = vector.broadcast %mul3A_625 : i32 to vector<16xi32>
      %mul3A_627 = arith.muli %and3A_624, %mul3A_626 : vector<16xi32>
      %add3A_628 = arith.addi %sub3A_621, %mul3A_627 : vector<16xi32>
      %shift_right_arithmetic3A_629 = arith.constant 3 : i32
      %shift_right_arithmetic3A_630 = vector.broadcast %shift_right_arithmetic3A_629 : i32 to vector<16xi32>
      %shift_right_arithmetic3A_631 = arith.shrsi %and3A_618, %shift_right_arithmetic3A_630 : vector<16xi32>
      %add3A_632 = arith.addi %add3A_628, %shift_right_arithmetic3A_631 : vector<16xi32>
      %gather3A_633 = tpu.vector_load_idx %arg6[%add3A_632] : memref<10496xi32, #tpu.memory_space<vmem>>[vector<16xi32>], vector<16xi32>,
      %swap3A_634 = arith.constant 48 : index
      %swap3A_635 = tpu.vector_load %arg9[%swap3A_634] {strides = array<i32>} : memref<80xi32, #tpu.memory_space<vmem>>, vector<16xi32>,
      tpu.vector_store %arg9[%swap3A_634], %gather3A_633 {strides = array<i32>} : memref<80xi32, #tpu.memory_space<vmem>>, vector<16xi32>,
      %mul3A_636 = arith.constant 80 : i32
      %mul3A_637 = arith.muli %add3A_518, %mul3A_636 : i32
      %add3A_638 = arith.addi %mul3A_2, %mul3A_637 : i32
      %add3A_639 = arith.constant 64 : i32
      %add3A_640 = arith.addi %add3A_638, %add3A_639 : i32
      %iota3A_641 = tpu.iota {dimensions = array<i32: 0>} : vector<16xi32>
      %add3A_642 = vector.broadcast %add3A_640 : i32 to vector<16xi32>
      %add3A_643 = arith.addi %add3A_642, %iota3A_641 : vector<16xi32>
      %and3A_644 = arith.constant 255 : i32
      %and3A_645 = vector.broadcast %and3A_644 : i32 to vector<16xi32>
      %and3A_646 = arith.andi %add3A_643, %and3A_645 : vector<16xi32>
      %sub3A_647 = arith.subi %add3A_643, %and3A_646 : vector<16xi32>
      %sub3A_648 = vector.broadcast %min3A_30 : i32 to vector<16xi32>
      %sub3A_649 = arith.subi %sub3A_647, %sub3A_648 : vector<16xi32>
      %and3A_650 = arith.constant 7 : i32
      %and3A_651 = vector.broadcast %and3A_650 : i32 to vector<16xi32>
      %and3A_652 = arith.andi %and3A_646, %and3A_651 : vector<16xi32>
      %mul3A_653 = arith.constant 32 : i32
      %mul3A_654 = vector.broadcast %mul3A_653 : i32 to vector<16xi32>
      %mul3A_655 = arith.muli %and3A_652, %mul3A_654 : vector<16xi32>
      %add3A_656 = arith.addi %sub3A_649, %mul3A_655 : vector<16xi32>
      %shift_right_arithmetic3A_657 = arith.constant 3 : i32
      %shift_right_arithmetic3A_658 = vector.broadcast %shift_right_arithmetic3A_657 : i32 to vector<16xi32>
      %shift_right_arithmetic3A_659 = arith.shrsi %and3A_646, %shift_right_arithmetic3A_658 : vector<16xi32>
      %add3A_660 = arith.addi %add3A_656, %shift_right_arithmetic3A_659 : vector<16xi32>
      %gather3A_661 = tpu.vector_load_idx %arg6[%add3A_660] : memref<10496xi32, #tpu.memory_space<vmem>>[vector<16xi32>], vector<16xi32>,
      %swap3A_662 = arith.constant 64 : index
      %swap3A_663 = tpu.vector_load %arg9[%swap3A_662] {strides = array<i32>} : memref<80xi32, #tpu.memory_space<vmem>>, vector<16xi32>,
      tpu.vector_store %arg9[%swap3A_662], %gather3A_661 {strides = array<i32>} : memref<80xi32, #tpu.memory_space<vmem>>, vector<16xi32>,
      %dma_start3A_664 = arith.constant 0 : i32
      %dma_start3A_665 = arith.constant 0 : i32
      %dma_start3A_666 = tpu.memref_slice %arg5[%dma_start3A_664, %dma_start3A_665] : memref<10000x128xf32, #tpu.memory_space<vmem_shared>> -> memref<10000x128xf32, #tpu.memory_space<vmem_shared>>
      tpu.enqueue_indirect_dma source(%dma_start3A_666 : memref<10000x128xf32, #tpu.memory_space<vmem_shared>>) target(%arg12 : memref<80x128xf32, #tpu.memory_space<vmem>>) offsets(%arg9 : memref<80xi32, #tpu.memory_space<vmem>>) semaphore(%arg15 : memref<!tpu.dma_semaphore, #tpu.memory_space<semaphore_mem>>)
      %dma_wait3A_667 = arith.constant 0 : i32
      %dma_wait3A_668 = arith.constant 0 : i32
      %dma_wait3A_669 = tpu.memref_slice %arg5[%dma_wait3A_667, %dma_wait3A_668] : memref<10000x128xf32, #tpu.memory_space<vmem_shared>> -> memref<10000x128xf32, #tpu.memory_space<vmem_shared>>
      tpu.wait_indirect_dma semaphore(%arg14 : memref<!tpu.dma_semaphore, #tpu.memory_space<semaphore_mem>>) src(%dma_wait3A_669 : memref<10000x128xf32, #tpu.memory_space<vmem_shared>>) dst(%arg11 : memref<80x128xf32, #tpu.memory_space<vmem>>)
      %sub3A_670 = arith.constant 1 : i32
      %sub3A_671 = arith.subi %add3A_518, %sub3A_670 : i32
      %mul3A_672 = arith.constant 80 : i32
      %mul3A_673 = arith.muli %sub3A_671, %mul3A_672 : i32
      %add3A_674 = arith.addi %mul3A_2, %mul3A_673 : i32
      %dma_start3A_675 = arith.constant 0 : i32
      %dma_start3A_676 = tpu.memref_slice %arg4[%add3A_674, %dma_start3A_675] : memref<320000x128xf32, #tpu.memory_space<hbm>> -> memref<80x128xf32, #tpu.memory_space<hbm>>
      %dma_start3A_677 = arith.constant 0 : i32
      %dma_start3A_678 = tpu.memref_slice %arg4[%add3A_674, %dma_start3A_677] : memref<320000x128xf32, #tpu.memory_space<hbm>> -> memref<80x128xf32, #tpu.memory_space<hbm>>
      tpu.enqueue_dma source(%arg11 : memref<80x128xf32, #tpu.memory_space<vmem>>) target(%dma_start3A_678 : memref<80x128xf32, #tpu.memory_space<hbm>>) target_semaphore(%arg17 : memref<!tpu.dma_semaphore, #tpu.memory_space<semaphore_mem>>)
      %add3A_679 = arith.constant 3 : i32
      %add3A_680 = arith.addi %mul3A_355, %add3A_679 : i32
      %ge3A_681 = arith.constant 3 : i32
      %ge3A_682 = arith.cmpi sge, %add3A_680, %ge3A_681 : i32
      %convert_element_type3A_683 = arith.extui %ge3A_682 : i1 to i32
      %cond3A_684 = arith.constant 0 : i32
      %cond3A_685 = arith.cmpi ne, %convert_element_type3A_683, %cond3A_684 : i32
      scf.if %cond3A_685 {
        %sub3A_841 = arith.constant 3 : i32
        %sub3A_842 = arith.subi %add3A_680, %sub3A_841 : i32
        %mul3A_843 = arith.constant 80 : i32
        %mul3A_844 = arith.muli %sub3A_842, %mul3A_843 : i32
        %add3A_845 = arith.addi %mul3A_2, %mul3A_844 : i32
        %dma_wait3A_846 = arith.constant 0 : i32
        %dma_wait3A_847 = tpu.memref_slice %arg4[%add3A_845, %dma_wait3A_846] : memref<320000x128xf32, #tpu.memory_space<hbm>> -> memref<80x128xf32, #tpu.memory_space<hbm>>
        %dma_wait3A_848 = arith.constant 0 : i32
        %dma_wait3A_849 = tpu.memref_slice %arg4[%add3A_845, %dma_wait3A_848] : memref<320000x128xf32, #tpu.memory_space<hbm>> -> memref<80x128xf32, #tpu.memory_space<hbm>>
        tpu.wait_dma2 semaphore(%arg16 : memref<!tpu.dma_semaphore, #tpu.memory_space<semaphore_mem>>) src(%arg10 : memref<80x128xf32, #tpu.memory_space<vmem>>) dst(%dma_wait3A_849 : memref<80x128xf32, #tpu.memory_space<hbm>>)
      } else {
      }
      %mul3A_686 = arith.constant 80 : i32
      %mul3A_687 = arith.muli %add3A_680, %mul3A_686 : i32
      %add3A_688 = arith.addi %mul3A_2, %mul3A_687 : i32
      %add3A_689 = arith.constant 0 : i32
      %add3A_690 = arith.addi %add3A_688, %add3A_689 : i32
      %iota3A_691 = tpu.iota {dimensions = array<i32: 0>} : vector<16xi32>
      %add3A_692 = vector.broadcast %add3A_690 : i32 to vector<16xi32>
      %add3A_693 = arith.addi %add3A_692, %iota3A_691 : vector<16xi32>
      %and3A_694 = arith.constant 255 : i32
      %and3A_695 = vector.broadcast %and3A_694 : i32 to vector<16xi32>
      %and3A_696 = arith.andi %add3A_693, %and3A_695 : vector<16xi32>
      %sub3A_697 = arith.subi %add3A_693, %and3A_696 : vector<16xi32>
      %sub3A_698 = vector.broadcast %min3A_30 : i32 to vector<16xi32>
      %sub3A_699 = arith.subi %sub3A_697, %sub3A_698 : vector<16xi32>
      %and3A_700 = arith.constant 7 : i32
      %and3A_701 = vector.broadcast %and3A_700 : i32 to vector<16xi32>
      %and3A_702 = arith.andi %and3A_696, %and3A_701 : vector<16xi32>
      %mul3A_703 = arith.constant 32 : i32
      %mul3A_704 = vector.broadcast %mul3A_703 : i32 to vector<16xi32>
      %mul3A_705 = arith.muli %and3A_702, %mul3A_704 : vector<16xi32>
      %add3A_706 = arith.addi %sub3A_699, %mul3A_705 : vector<16xi32>
      %shift_right_arithmetic3A_707 = arith.constant 3 : i32
      %shift_right_arithmetic3A_708 = vector.broadcast %shift_right_arithmetic3A_707 : i32 to vector<16xi32>
      %shift_right_arithmetic3A_709 = arith.shrsi %and3A_696, %shift_right_arithmetic3A_708 : vector<16xi32>
      %add3A_710 = arith.addi %add3A_706, %shift_right_arithmetic3A_709 : vector<16xi32>
      %gather3A_711 = tpu.vector_load_idx %arg6[%add3A_710] : memref<10496xi32, #tpu.memory_space<vmem>>[vector<16xi32>], vector<16xi32>,
      %swap3A_712 = arith.constant 0 : index
      %swap3A_713 = tpu.vector_load %arg7[%swap3A_712] {strides = array<i32>} : memref<80xi32, #tpu.memory_space<vmem>>, vector<16xi32>,
      tpu.vector_store %arg7[%swap3A_712], %gather3A_711 {strides = array<i32>} : memref<80xi32, #tpu.memory_space<vmem>>, vector<16xi32>,
      %mul3A_714 = arith.constant 80 : i32
      %mul3A_715 = arith.muli %add3A_680, %mul3A_714 : i32
      %add3A_716 = arith.addi %mul3A_2, %mul3A_715 : i32
      %add3A_717 = arith.constant 16 : i32
      %add3A_718 = arith.addi %add3A_716, %add3A_717 : i32
      %iota3A_719 = tpu.iota {dimensions = array<i32: 0>} : vector<16xi32>
      %add3A_720 = vector.broadcast %add3A_718 : i32 to vector<16xi32>
      %add3A_721 = arith.addi %add3A_720, %iota3A_719 : vector<16xi32>
      %and3A_722 = arith.constant 255 : i32
      %and3A_723 = vector.broadcast %and3A_722 : i32 to vector<16xi32>
      %and3A_724 = arith.andi %add3A_721, %and3A_723 : vector<16xi32>
      %sub3A_725 = arith.subi %add3A_721, %and3A_724 : vector<16xi32>
      %sub3A_726 = vector.broadcast %min3A_30 : i32 to vector<16xi32>
      %sub3A_727 = arith.subi %sub3A_725, %sub3A_726 : vector<16xi32>
      %and3A_728 = arith.constant 7 : i32
      %and3A_729 = vector.broadcast %and3A_728 : i32 to vector<16xi32>
      %and3A_730 = arith.andi %and3A_724, %and3A_729 : vector<16xi32>
      %mul3A_731 = arith.constant 32 : i32
      %mul3A_732 = vector.broadcast %mul3A_731 : i32 to vector<16xi32>
      %mul3A_733 = arith.muli %and3A_730, %mul3A_732 : vector<16xi32>
      %add3A_734 = arith.addi %sub3A_727, %mul3A_733 : vector<16xi32>
      %shift_right_arithmetic3A_735 = arith.constant 3 : i32
      %shift_right_arithmetic3A_736 = vector.broadcast %shift_right_arithmetic3A_735 : i32 to vector<16xi32>
      %shift_right_arithmetic3A_737 = arith.shrsi %and3A_724, %shift_right_arithmetic3A_736 : vector<16xi32>
      %add3A_738 = arith.addi %add3A_734, %shift_right_arithmetic3A_737 : vector<16xi32>
      %gather3A_739 = tpu.vector_load_idx %arg6[%add3A_738] : memref<10496xi32, #tpu.memory_space<vmem>>[vector<16xi32>], vector<16xi32>,
      %swap3A_740 = arith.constant 16 : index
      %swap3A_741 = tpu.vector_load %arg7[%swap3A_740] {strides = array<i32>} : memref<80xi32, #tpu.memory_space<vmem>>, vector<16xi32>,
      tpu.vector_store %arg7[%swap3A_740], %gather3A_739 {strides = array<i32>} : memref<80xi32, #tpu.memory_space<vmem>>, vector<16xi32>,
      %mul3A_742 = arith.constant 80 : i32
      %mul3A_743 = arith.muli %add3A_680, %mul3A_742 : i32
      %add3A_744 = arith.addi %mul3A_2, %mul3A_743 : i32
      %add3A_745 = arith.constant 32 : i32
      %add3A_746 = arith.addi %add3A_744, %add3A_745 : i32
      %iota3A_747 = tpu.iota {dimensions = array<i32: 0>} : vector<16xi32>
      %add3A_748 = vector.broadcast %add3A_746 : i32 to vector<16xi32>
      %add3A_749 = arith.addi %add3A_748, %iota3A_747 : vector<16xi32>
      %and3A_750 = arith.constant 255 : i32
      %and3A_751 = vector.broadcast %and3A_750 : i32 to vector<16xi32>
      %and3A_752 = arith.andi %add3A_749, %and3A_751 : vector<16xi32>
      %sub3A_753 = arith.subi %add3A_749, %and3A_752 : vector<16xi32>
      %sub3A_754 = vector.broadcast %min3A_30 : i32 to vector<16xi32>
      %sub3A_755 = arith.subi %sub3A_753, %sub3A_754 : vector<16xi32>
      %and3A_756 = arith.constant 7 : i32
      %and3A_757 = vector.broadcast %and3A_756 : i32 to vector<16xi32>
      %and3A_758 = arith.andi %and3A_752, %and3A_757 : vector<16xi32>
      %mul3A_759 = arith.constant 32 : i32
      %mul3A_760 = vector.broadcast %mul3A_759 : i32 to vector<16xi32>
      %mul3A_761 = arith.muli %and3A_758, %mul3A_760 : vector<16xi32>
      %add3A_762 = arith.addi %sub3A_755, %mul3A_761 : vector<16xi32>
      %shift_right_arithmetic3A_763 = arith.constant 3 : i32
      %shift_right_arithmetic3A_764 = vector.broadcast %shift_right_arithmetic3A_763 : i32 to vector<16xi32>
      %shift_right_arithmetic3A_765 = arith.shrsi %and3A_752, %shift_right_arithmetic3A_764 : vector<16xi32>
      %add3A_766 = arith.addi %add3A_762, %shift_right_arithmetic3A_765 : vector<16xi32>
      %gather3A_767 = tpu.vector_load_idx %arg6[%add3A_766] : memref<10496xi32, #tpu.memory_space<vmem>>[vector<16xi32>], vector<16xi32>,
      %swap3A_768 = arith.constant 32 : index
      %swap3A_769 = tpu.vector_load %arg7[%swap3A_768] {strides = array<i32>} : memref<80xi32, #tpu.memory_space<vmem>>, vector<16xi32>,
      tpu.vector_store %arg7[%swap3A_768], %gather3A_767 {strides = array<i32>} : memref<80xi32, #tpu.memory_space<vmem>>, vector<16xi32>,
      %mul3A_770 = arith.constant 80 : i32
      %mul3A_771 = arith.muli %add3A_680, %mul3A_770 : i32
      %add3A_772 = arith.addi %mul3A_2, %mul3A_771 : i32
      %add3A_773 = arith.constant 48 : i32
      %add3A_774 = arith.addi %add3A_772, %add3A_773 : i32
      %iota3A_775 = tpu.iota {dimensions = array<i32: 0>} : vector<16xi32>
      %add3A_776 = vector.broadcast %add3A_774 : i32 to vector<16xi32>
      %add3A_777 = arith.addi %add3A_776, %iota3A_775 : vector<16xi32>
      %and3A_778 = arith.constant 255 : i32
      %and3A_779 = vector.broadcast %and3A_778 : i32 to vector<16xi32>
      %and3A_780 = arith.andi %add3A_777, %and3A_779 : vector<16xi32>
      %sub3A_781 = arith.subi %add3A_777, %and3A_780 : vector<16xi32>
      %sub3A_782 = vector.broadcast %min3A_30 : i32 to vector<16xi32>
      %sub3A_783 = arith.subi %sub3A_781, %sub3A_782 : vector<16xi32>
      %and3A_784 = arith.constant 7 : i32
      %and3A_785 = vector.broadcast %and3A_784 : i32 to vector<16xi32>
      %and3A_786 = arith.andi %and3A_780, %and3A_785 : vector<16xi32>
      %mul3A_787 = arith.constant 32 : i32
      %mul3A_788 = vector.broadcast %mul3A_787 : i32 to vector<16xi32>
      %mul3A_789 = arith.muli %and3A_786, %mul3A_788 : vector<16xi32>
      %add3A_790 = arith.addi %sub3A_783, %mul3A_789 : vector<16xi32>
      %shift_right_arithmetic3A_791 = arith.constant 3 : i32
      %shift_right_arithmetic3A_792 = vector.broadcast %shift_right_arithmetic3A_791 : i32 to vector<16xi32>
      %shift_right_arithmetic3A_793 = arith.shrsi %and3A_780, %shift_right_arithmetic3A_792 : vector<16xi32>
      %add3A_794 = arith.addi %add3A_790, %shift_right_arithmetic3A_793 : vector<16xi32>
      %gather3A_795 = tpu.vector_load_idx %arg6[%add3A_794] : memref<10496xi32, #tpu.memory_space<vmem>>[vector<16xi32>], vector<16xi32>,
      %swap3A_796 = arith.constant 48 : index
      %swap3A_797 = tpu.vector_load %arg7[%swap3A_796] {strides = array<i32>} : memref<80xi32, #tpu.memory_space<vmem>>, vector<16xi32>,
      tpu.vector_store %arg7[%swap3A_796], %gather3A_795 {strides = array<i32>} : memref<80xi32, #tpu.memory_space<vmem>>, vector<16xi32>,
      %mul3A_798 = arith.constant 80 : i32
      %mul3A_799 = arith.muli %add3A_680, %mul3A_798 : i32
      %add3A_800 = arith.addi %mul3A_2, %mul3A_799 : i32
      %add3A_801 = arith.constant 64 : i32
      %add3A_802 = arith.addi %add3A_800, %add3A_801 : i32
      %iota3A_803 = tpu.iota {dimensions = array<i32: 0>} : vector<16xi32>
      %add3A_804 = vector.broadcast %add3A_802 : i32 to vector<16xi32>
      %add3A_805 = arith.addi %add3A_804, %iota3A_803 : vector<16xi32>
      %and3A_806 = arith.constant 255 : i32
      %and3A_807 = vector.broadcast %and3A_806 : i32 to vector<16xi32>
      %and3A_808 = arith.andi %add3A_805, %and3A_807 : vector<16xi32>
      %sub3A_809 = arith.subi %add3A_805, %and3A_808 : vector<16xi32>
      %sub3A_810 = vector.broadcast %min3A_30 : i32 to vector<16xi32>
      %sub3A_811 = arith.subi %sub3A_809, %sub3A_810 : vector<16xi32>
      %and3A_812 = arith.constant 7 : i32
      %and3A_813 = vector.broadcast %and3A_812 : i32 to vector<16xi32>
      %and3A_814 = arith.andi %and3A_808, %and3A_813 : vector<16xi32>
      %mul3A_815 = arith.constant 32 : i32
      %mul3A_816 = vector.broadcast %mul3A_815 : i32 to vector<16xi32>
      %mul3A_817 = arith.muli %and3A_814, %mul3A_816 : vector<16xi32>
      %add3A_818 = arith.addi %sub3A_811, %mul3A_817 : vector<16xi32>
      %shift_right_arithmetic3A_819 = arith.constant 3 : i32
      %shift_right_arithmetic3A_820 = vector.broadcast %shift_right_arithmetic3A_819 : i32 to vector<16xi32>
      %shift_right_arithmetic3A_821 = arith.shrsi %and3A_808, %shift_right_arithmetic3A_820 : vector<16xi32>
      %add3A_822 = arith.addi %add3A_818, %shift_right_arithmetic3A_821 : vector<16xi32>
      %gather3A_823 = tpu.vector_load_idx %arg6[%add3A_822] : memref<10496xi32, #tpu.memory_space<vmem>>[vector<16xi32>], vector<16xi32>,
      %swap3A_824 = arith.constant 64 : index
      %swap3A_825 = tpu.vector_load %arg7[%swap3A_824] {strides = array<i32>} : memref<80xi32, #tpu.memory_space<vmem>>, vector<16xi32>,
      tpu.vector_store %arg7[%swap3A_824], %gather3A_823 {strides = array<i32>} : memref<80xi32, #tpu.memory_space<vmem>>, vector<16xi32>,
      %dma_start3A_826 = arith.constant 0 : i32
      %dma_start3A_827 = arith.constant 0 : i32
      %dma_start3A_828 = tpu.memref_slice %arg5[%dma_start3A_826, %dma_start3A_827] : memref<10000x128xf32, #tpu.memory_space<vmem_shared>> -> memref<10000x128xf32, #tpu.memory_space<vmem_shared>>
      tpu.enqueue_indirect_dma source(%dma_start3A_828 : memref<10000x128xf32, #tpu.memory_space<vmem_shared>>) target(%arg10 : memref<80x128xf32, #tpu.memory_space<vmem>>) offsets(%arg7 : memref<80xi32, #tpu.memory_space<vmem>>) semaphore(%arg13 : memref<!tpu.dma_semaphore, #tpu.memory_space<semaphore_mem>>)
      %dma_wait3A_829 = arith.constant 0 : i32
      %dma_wait3A_830 = arith.constant 0 : i32
      %dma_wait3A_831 = tpu.memref_slice %arg5[%dma_wait3A_829, %dma_wait3A_830] : memref<10000x128xf32, #tpu.memory_space<vmem_shared>> -> memref<10000x128xf32, #tpu.memory_space<vmem_shared>>
      tpu.wait_indirect_dma semaphore(%arg15 : memref<!tpu.dma_semaphore, #tpu.memory_space<semaphore_mem>>) src(%dma_wait3A_831 : memref<10000x128xf32, #tpu.memory_space<vmem_shared>>) dst(%arg12 : memref<80x128xf32, #tpu.memory_space<vmem>>)
      %sub3A_832 = arith.constant 1 : i32
      %sub3A_833 = arith.subi %add3A_680, %sub3A_832 : i32
      %mul3A_834 = arith.constant 80 : i32
      %mul3A_835 = arith.muli %sub3A_833, %mul3A_834 : i32
      %add3A_836 = arith.addi %mul3A_2, %mul3A_835 : i32
      %dma_start3A_837 = arith.constant 0 : i32
      %dma_start3A_838 = tpu.memref_slice %arg4[%add3A_836, %dma_start3A_837] : memref<320000x128xf32, #tpu.memory_space<hbm>> -> memref<80x128xf32, #tpu.memory_space<hbm>>
      %dma_start3A_839 = arith.constant 0 : i32
      %dma_start3A_840 = tpu.memref_slice %arg4[%add3A_836, %dma_start3A_839] : memref<320000x128xf32, #tpu.memory_space<hbm>> -> memref<80x128xf32, #tpu.memory_space<hbm>>
      tpu.enqueue_dma source(%arg12 : memref<80x128xf32, #tpu.memory_space<vmem>>) target(%dma_start3A_840 : memref<80x128xf32, #tpu.memory_space<hbm>>) target_semaphore(%arg18 : memref<!tpu.dma_semaphore, #tpu.memory_space<semaphore_mem>>)
    }
    %scan3A_172 = arith.constant 41 : i32
    %add3A_173 = arith.constant 9680 : i32
    %add3A_174 = arith.addi %mul3A_2, %add3A_173 : i32
    %dma_wait3A_175 = arith.constant 0 : i32
    %dma_wait3A_176 = tpu.memref_slice %arg4[%add3A_174, %dma_wait3A_175] : memref<320000x128xf32, #tpu.memory_space<hbm>> -> memref<80x128xf32, #tpu.memory_space<hbm>>
    %dma_wait3A_177 = arith.constant 0 : i32
    %dma_wait3A_178 = tpu.memref_slice %arg4[%add3A_174, %dma_wait3A_177] : memref<320000x128xf32, #tpu.memory_space<hbm>> -> memref<80x128xf32, #tpu.memory_space<hbm>>
    tpu.wait_dma2 semaphore(%arg17 : memref<!tpu.dma_semaphore, #tpu.memory_space<semaphore_mem>>) src(%arg11 : memref<80x128xf32, #tpu.memory_space<vmem>>) dst(%dma_wait3A_178 : memref<80x128xf32, #tpu.memory_space<hbm>>)
    %add3A_179 = arith.constant 9920 : i32
    %add3A_180 = arith.addi %mul3A_2, %add3A_179 : i32
    %add3A_181 = arith.constant 0 : i32
    %add3A_182 = arith.addi %add3A_180, %add3A_181 : i32
    %iota3A_183 = tpu.iota {dimensions = array<i32: 0>} : vector<16xi32>
    %add3A_184 = vector.broadcast %add3A_182 : i32 to vector<16xi32>
    %add3A_185 = arith.addi %add3A_184, %iota3A_183 : vector<16xi32>
    %and3A_186 = arith.constant 255 : i32
    %and3A_187 = vector.broadcast %and3A_186 : i32 to vector<16xi32>
    %and3A_188 = arith.andi %add3A_185, %and3A_187 : vector<16xi32>
    %sub3A_189 = arith.subi %add3A_185, %and3A_188 : vector<16xi32>
    %sub3A_190 = vector.broadcast %min3A_30 : i32 to vector<16xi32>
    %sub3A_191 = arith.subi %sub3A_189, %sub3A_190 : vector<16xi32>
    %and3A_192 = arith.constant 7 : i32
    %and3A_193 = vector.broadcast %and3A_192 : i32 to vector<16xi32>
    %and3A_194 = arith.andi %and3A_188, %and3A_193 : vector<16xi32>
    %mul3A_195 = arith.constant 32 : i32
    %mul3A_196 = vector.broadcast %mul3A_195 : i32 to vector<16xi32>
    %mul3A_197 = arith.muli %and3A_194, %mul3A_196 : vector<16xi32>
    %add3A_198 = arith.addi %sub3A_191, %mul3A_197 : vector<16xi32>
    %shift_right_arithmetic3A_199 = arith.constant 3 : i32
    %shift_right_arithmetic3A_200 = vector.broadcast %shift_right_arithmetic3A_199 : i32 to vector<16xi32>
    %shift_right_arithmetic3A_201 = arith.shrsi %and3A_188, %shift_right_arithmetic3A_200 : vector<16xi32>
    %add3A_202 = arith.addi %add3A_198, %shift_right_arithmetic3A_201 : vector<16xi32>
    %gather3A_203 = tpu.vector_load_idx %arg6[%add3A_202] : memref<10496xi32, #tpu.memory_space<vmem>>[vector<16xi32>], vector<16xi32>,
    %swap3A_204 = arith.constant 0 : index
    %swap3A_205 = tpu.vector_load %arg8[%swap3A_204] {strides = array<i32>} : memref<80xi32, #tpu.memory_space<vmem>>, vector<16xi32>,
    tpu.vector_store %arg8[%swap3A_204], %gather3A_203 {strides = array<i32>} : memref<80xi32, #tpu.memory_space<vmem>>, vector<16xi32>,
    %add3A_206 = arith.constant 9920 : i32
    %add3A_207 = arith.addi %mul3A_2, %add3A_206 : i32
    %add3A_208 = arith.constant 16 : i32
    %add3A_209 = arith.addi %add3A_207, %add3A_208 : i32
    %iota3A_210 = tpu.iota {dimensions = array<i32: 0>} : vector<16xi32>
    %add3A_211 = vector.broadcast %add3A_209 : i32 to vector<16xi32>
    %add3A_212 = arith.addi %add3A_211, %iota3A_210 : vector<16xi32>
    %and3A_213 = arith.constant 255 : i32
    %and3A_214 = vector.broadcast %and3A_213 : i32 to vector<16xi32>
    %and3A_215 = arith.andi %add3A_212, %and3A_214 : vector<16xi32>
    %sub3A_216 = arith.subi %add3A_212, %and3A_215 : vector<16xi32>
    %sub3A_217 = vector.broadcast %min3A_30 : i32 to vector<16xi32>
    %sub3A_218 = arith.subi %sub3A_216, %sub3A_217 : vector<16xi32>
    %and3A_219 = arith.constant 7 : i32
    %and3A_220 = vector.broadcast %and3A_219 : i32 to vector<16xi32>
    %and3A_221 = arith.andi %and3A_215, %and3A_220 : vector<16xi32>
    %mul3A_222 = arith.constant 32 : i32
    %mul3A_223 = vector.broadcast %mul3A_222 : i32 to vector<16xi32>
    %mul3A_224 = arith.muli %and3A_221, %mul3A_223 : vector<16xi32>
    %add3A_225 = arith.addi %sub3A_218, %mul3A_224 : vector<16xi32>
    %shift_right_arithmetic3A_226 = arith.constant 3 : i32
    %shift_right_arithmetic3A_227 = vector.broadcast %shift_right_arithmetic3A_226 : i32 to vector<16xi32>
    %shift_right_arithmetic3A_228 = arith.shrsi %and3A_215, %shift_right_arithmetic3A_227 : vector<16xi32>
    %add3A_229 = arith.addi %add3A_225, %shift_right_arithmetic3A_228 : vector<16xi32>
    %gather3A_230 = tpu.vector_load_idx %arg6[%add3A_229] : memref<10496xi32, #tpu.memory_space<vmem>>[vector<16xi32>], vector<16xi32>,
    %swap3A_231 = arith.constant 16 : index
    %swap3A_232 = tpu.vector_load %arg8[%swap3A_231] {strides = array<i32>} : memref<80xi32, #tpu.memory_space<vmem>>, vector<16xi32>,
    tpu.vector_store %arg8[%swap3A_231], %gather3A_230 {strides = array<i32>} : memref<80xi32, #tpu.memory_space<vmem>>, vector<16xi32>,
    %add3A_233 = arith.constant 9920 : i32
    %add3A_234 = arith.addi %mul3A_2, %add3A_233 : i32
    %add3A_235 = arith.constant 32 : i32
    %add3A_236 = arith.addi %add3A_234, %add3A_235 : i32
    %iota3A_237 = tpu.iota {dimensions = array<i32: 0>} : vector<16xi32>
    %add3A_238 = vector.broadcast %add3A_236 : i32 to vector<16xi32>
    %add3A_239 = arith.addi %add3A_238, %iota3A_237 : vector<16xi32>
    %and3A_240 = arith.constant 255 : i32
    %and3A_241 = vector.broadcast %and3A_240 : i32 to vector<16xi32>
    %and3A_242 = arith.andi %add3A_239, %and3A_241 : vector<16xi32>
    %sub3A_243 = arith.subi %add3A_239, %and3A_242 : vector<16xi32>
    %sub3A_244 = vector.broadcast %min3A_30 : i32 to vector<16xi32>
    %sub3A_245 = arith.subi %sub3A_243, %sub3A_244 : vector<16xi32>
    %and3A_246 = arith.constant 7 : i32
    %and3A_247 = vector.broadcast %and3A_246 : i32 to vector<16xi32>
    %and3A_248 = arith.andi %and3A_242, %and3A_247 : vector<16xi32>
    %mul3A_249 = arith.constant 32 : i32
    %mul3A_250 = vector.broadcast %mul3A_249 : i32 to vector<16xi32>
    %mul3A_251 = arith.muli %and3A_248, %mul3A_250 : vector<16xi32>
    %add3A_252 = arith.addi %sub3A_245, %mul3A_251 : vector<16xi32>
    %shift_right_arithmetic3A_253 = arith.constant 3 : i32
    %shift_right_arithmetic3A_254 = vector.broadcast %shift_right_arithmetic3A_253 : i32 to vector<16xi32>
    %shift_right_arithmetic3A_255 = arith.shrsi %and3A_242, %shift_right_arithmetic3A_254 : vector<16xi32>
    %add3A_256 = arith.addi %add3A_252, %shift_right_arithmetic3A_255 : vector<16xi32>
    %gather3A_257 = tpu.vector_load_idx %arg6[%add3A_256] : memref<10496xi32, #tpu.memory_space<vmem>>[vector<16xi32>], vector<16xi32>,
    %swap3A_258 = arith.constant 32 : index
    %swap3A_259 = tpu.vector_load %arg8[%swap3A_258] {strides = array<i32>} : memref<80xi32, #tpu.memory_space<vmem>>, vector<16xi32>,
    tpu.vector_store %arg8[%swap3A_258], %gather3A_257 {strides = array<i32>} : memref<80xi32, #tpu.memory_space<vmem>>, vector<16xi32>,
    %add3A_260 = arith.constant 9920 : i32
    %add3A_261 = arith.addi %mul3A_2, %add3A_260 : i32
    %add3A_262 = arith.constant 48 : i32
    %add3A_263 = arith.addi %add3A_261, %add3A_262 : i32
    %iota3A_264 = tpu.iota {dimensions = array<i32: 0>} : vector<16xi32>
    %add3A_265 = vector.broadcast %add3A_263 : i32 to vector<16xi32>
    %add3A_266 = arith.addi %add3A_265, %iota3A_264 : vector<16xi32>
    %and3A_267 = arith.constant 255 : i32
    %and3A_268 = vector.broadcast %and3A_267 : i32 to vector<16xi32>
    %and3A_269 = arith.andi %add3A_266, %and3A_268 : vector<16xi32>
    %sub3A_270 = arith.subi %add3A_266, %and3A_269 : vector<16xi32>
    %sub3A_271 = vector.broadcast %min3A_30 : i32 to vector<16xi32>
    %sub3A_272 = arith.subi %sub3A_270, %sub3A_271 : vector<16xi32>
    %and3A_273 = arith.constant 7 : i32
    %and3A_274 = vector.broadcast %and3A_273 : i32 to vector<16xi32>
    %and3A_275 = arith.andi %and3A_269, %and3A_274 : vector<16xi32>
    %mul3A_276 = arith.constant 32 : i32
    %mul3A_277 = vector.broadcast %mul3A_276 : i32 to vector<16xi32>
    %mul3A_278 = arith.muli %and3A_275, %mul3A_277 : vector<16xi32>
    %add3A_279 = arith.addi %sub3A_272, %mul3A_278 : vector<16xi32>
    %shift_right_arithmetic3A_280 = arith.constant 3 : i32
    %shift_right_arithmetic3A_281 = vector.broadcast %shift_right_arithmetic3A_280 : i32 to vector<16xi32>
    %shift_right_arithmetic3A_282 = arith.shrsi %and3A_269, %shift_right_arithmetic3A_281 : vector<16xi32>
    %add3A_283 = arith.addi %add3A_279, %shift_right_arithmetic3A_282 : vector<16xi32>
    %gather3A_284 = tpu.vector_load_idx %arg6[%add3A_283] : memref<10496xi32, #tpu.memory_space<vmem>>[vector<16xi32>], vector<16xi32>,
    %swap3A_285 = arith.constant 48 : index
    %swap3A_286 = tpu.vector_load %arg8[%swap3A_285] {strides = array<i32>} : memref<80xi32, #tpu.memory_space<vmem>>, vector<16xi32>,
    tpu.vector_store %arg8[%swap3A_285], %gather3A_284 {strides = array<i32>} : memref<80xi32, #tpu.memory_space<vmem>>, vector<16xi32>,
    %add3A_287 = arith.constant 9920 : i32
    %add3A_288 = arith.addi %mul3A_2, %add3A_287 : i32
    %add3A_289 = arith.constant 64 : i32
    %add3A_290 = arith.addi %add3A_288, %add3A_289 : i32
    %iota3A_291 = tpu.iota {dimensions = array<i32: 0>} : vector<16xi32>
    %add3A_292 = vector.broadcast %add3A_290 : i32 to vector<16xi32>
    %add3A_293 = arith.addi %add3A_292, %iota3A_291 : vector<16xi32>
    %and3A_294 = arith.constant 255 : i32
    %and3A_295 = vector.broadcast %and3A_294 : i32 to vector<16xi32>
    %and3A_296 = arith.andi %add3A_293, %and3A_295 : vector<16xi32>
    %sub3A_297 = arith.subi %add3A_293, %and3A_296 : vector<16xi32>
    %sub3A_298 = vector.broadcast %min3A_30 : i32 to vector<16xi32>
    %sub3A_299 = arith.subi %sub3A_297, %sub3A_298 : vector<16xi32>
    %and3A_300 = arith.constant 7 : i32
    %and3A_301 = vector.broadcast %and3A_300 : i32 to vector<16xi32>
    %and3A_302 = arith.andi %and3A_296, %and3A_301 : vector<16xi32>
    %mul3A_303 = arith.constant 32 : i32
    %mul3A_304 = vector.broadcast %mul3A_303 : i32 to vector<16xi32>
    %mul3A_305 = arith.muli %and3A_302, %mul3A_304 : vector<16xi32>
    %add3A_306 = arith.addi %sub3A_299, %mul3A_305 : vector<16xi32>
    %shift_right_arithmetic3A_307 = arith.constant 3 : i32
    %shift_right_arithmetic3A_308 = vector.broadcast %shift_right_arithmetic3A_307 : i32 to vector<16xi32>
    %shift_right_arithmetic3A_309 = arith.shrsi %and3A_296, %shift_right_arithmetic3A_308 : vector<16xi32>
    %add3A_310 = arith.addi %add3A_306, %shift_right_arithmetic3A_309 : vector<16xi32>
    %gather3A_311 = tpu.vector_load_idx %arg6[%add3A_310] : memref<10496xi32, #tpu.memory_space<vmem>>[vector<16xi32>], vector<16xi32>,
    %swap3A_312 = arith.constant 64 : index
    %swap3A_313 = tpu.vector_load %arg8[%swap3A_312] {strides = array<i32>} : memref<80xi32, #tpu.memory_space<vmem>>, vector<16xi32>,
    tpu.vector_store %arg8[%swap3A_312], %gather3A_311 {strides = array<i32>} : memref<80xi32, #tpu.memory_space<vmem>>, vector<16xi32>,
    %dma_start3A_314 = arith.constant 0 : i32
    %dma_start3A_315 = arith.constant 0 : i32
    %dma_start3A_316 = tpu.memref_slice %arg5[%dma_start3A_314, %dma_start3A_315] : memref<10000x128xf32, #tpu.memory_space<vmem_shared>> -> memref<10000x128xf32, #tpu.memory_space<vmem_shared>>
    tpu.enqueue_indirect_dma source(%dma_start3A_316 : memref<10000x128xf32, #tpu.memory_space<vmem_shared>>) target(%arg11 : memref<80x128xf32, #tpu.memory_space<vmem>>) offsets(%arg8 : memref<80xi32, #tpu.memory_space<vmem>>) semaphore(%arg14 : memref<!tpu.dma_semaphore, #tpu.memory_space<semaphore_mem>>)
    %dma_wait3A_317 = arith.constant 0 : i32
    %dma_wait3A_318 = arith.constant 0 : i32
    %dma_wait3A_319 = tpu.memref_slice %arg5[%dma_wait3A_317, %dma_wait3A_318] : memref<10000x128xf32, #tpu.memory_space<vmem_shared>> -> memref<10000x128xf32, #tpu.memory_space<vmem_shared>>
    tpu.wait_indirect_dma semaphore(%arg13 : memref<!tpu.dma_semaphore, #tpu.memory_space<semaphore_mem>>) src(%dma_wait3A_319 : memref<10000x128xf32, #tpu.memory_space<vmem_shared>>) dst(%arg10 : memref<80x128xf32, #tpu.memory_space<vmem>>)
    %add3A_320 = arith.constant 9840 : i32
    %add3A_321 = arith.addi %mul3A_2, %add3A_320 : i32
    %dma_start3A_322 = arith.constant 0 : i32
    %dma_start3A_323 = tpu.memref_slice %arg4[%add3A_321, %dma_start3A_322] : memref<320000x128xf32, #tpu.memory_space<hbm>> -> memref<80x128xf32, #tpu.memory_space<hbm>>
    %dma_start3A_324 = arith.constant 0 : i32
    %dma_start3A_325 = tpu.memref_slice %arg4[%add3A_321, %dma_start3A_324] : memref<320000x128xf32, #tpu.memory_space<hbm>> -> memref<80x128xf32, #tpu.memory_space<hbm>>
    tpu.enqueue_dma source(%arg10 : memref<80x128xf32, #tpu.memory_space<vmem>>) target(%dma_start3A_325 : memref<80x128xf32, #tpu.memory_space<hbm>>) target_semaphore(%arg16 : memref<!tpu.dma_semaphore, #tpu.memory_space<semaphore_mem>>)
    %dma_wait3A_326 = arith.constant 0 : i32
    %dma_wait3A_327 = arith.constant 0 : i32
    %dma_wait3A_328 = tpu.memref_slice %arg5[%dma_wait3A_326, %dma_wait3A_327] : memref<10000x128xf32, #tpu.memory_space<vmem_shared>> -> memref<10000x128xf32, #tpu.memory_space<vmem_shared>>
    tpu.wait_indirect_dma semaphore(%arg14 : memref<!tpu.dma_semaphore, #tpu.memory_space<semaphore_mem>>) src(%dma_wait3A_328 : memref<10000x128xf32, #tpu.memory_space<vmem_shared>>) dst(%arg11 : memref<80x128xf32, #tpu.memory_space<vmem>>)
    %add3A_329 = arith.constant 9920 : i32
    %add3A_330 = arith.addi %mul3A_2, %add3A_329 : i32
    %dma_start3A_331 = arith.constant 0 : i32
    %dma_start3A_332 = tpu.memref_slice %arg4[%add3A_330, %dma_start3A_331] : memref<320000x128xf32, #tpu.memory_space<hbm>> -> memref<80x128xf32, #tpu.memory_space<hbm>>
    %dma_start3A_333 = arith.constant 0 : i32
    %dma_start3A_334 = tpu.memref_slice %arg4[%add3A_330, %dma_start3A_333] : memref<320000x128xf32, #tpu.memory_space<hbm>> -> memref<80x128xf32, #tpu.memory_space<hbm>>
    tpu.enqueue_dma source(%arg11 : memref<80x128xf32, #tpu.memory_space<vmem>>) target(%dma_start3A_334 : memref<80x128xf32, #tpu.memory_space<hbm>>) target_semaphore(%arg17 : memref<!tpu.dma_semaphore, #tpu.memory_space<semaphore_mem>>)
    %add3A_335 = arith.constant 9760 : i32
    %add3A_336 = arith.addi %mul3A_2, %add3A_335 : i32
    %dma_wait3A_337 = arith.constant 0 : i32
    %dma_wait3A_338 = tpu.memref_slice %arg4[%add3A_336, %dma_wait3A_337] : memref<320000x128xf32, #tpu.memory_space<hbm>> -> memref<80x128xf32, #tpu.memory_space<hbm>>
    %dma_wait3A_339 = arith.constant 0 : i32
    %dma_wait3A_340 = tpu.memref_slice %arg4[%add3A_336, %dma_wait3A_339] : memref<320000x128xf32, #tpu.memory_space<hbm>> -> memref<80x128xf32, #tpu.memory_space<hbm>>
    tpu.wait_dma2 semaphore(%arg18 : memref<!tpu.dma_semaphore, #tpu.memory_space<semaphore_mem>>) src(%arg12 : memref<80x128xf32, #tpu.memory_space<vmem>>) dst(%dma_wait3A_340 : memref<80x128xf32, #tpu.memory_space<hbm>>)
    %add3A_341 = arith.constant 9840 : i32
    %add3A_342 = arith.addi %mul3A_2, %add3A_341 : i32
    %dma_wait3A_343 = arith.constant 0 : i32
    %dma_wait3A_344 = tpu.memref_slice %arg4[%add3A_342, %dma_wait3A_343] : memref<320000x128xf32, #tpu.memory_space<hbm>> -> memref<80x128xf32, #tpu.memory_space<hbm>>
    %dma_wait3A_345 = arith.constant 0 : i32
    %dma_wait3A_346 = tpu.memref_slice %arg4[%add3A_342, %dma_wait3A_345] : memref<320000x128xf32, #tpu.memory_space<hbm>> -> memref<80x128xf32, #tpu.memory_space<hbm>>
    tpu.wait_dma2 semaphore(%arg16 : memref<!tpu.dma_semaphore, #tpu.memory_space<semaphore_mem>>) src(%arg10 : memref<80x128xf32, #tpu.memory_space<vmem>>) dst(%dma_wait3A_346 : memref<80x128xf32, #tpu.memory_space<hbm>>)
    %add3A_347 = arith.constant 9920 : i32
    %add3A_348 = arith.addi %mul3A_2, %add3A_347 : i32
    %dma_wait3A_349 = arith.constant 0 : i32
    %dma_wait3A_350 = tpu.memref_slice %arg4[%add3A_348, %dma_wait3A_349] : memref<320000x128xf32, #tpu.memory_space<hbm>> -> memref<80x128xf32, #tpu.memory_space<hbm>>
    %dma_wait3A_351 = arith.constant 0 : i32
    %dma_wait3A_352 = tpu.memref_slice %arg4[%add3A_348, %dma_wait3A_351] : memref<320000x128xf32, #tpu.memory_space<hbm>> -> memref<80x128xf32, #tpu.memory_space<hbm>>
    tpu.wait_dma2 semaphore(%arg17 : memref<!tpu.dma_semaphore, #tpu.memory_space<semaphore_mem>>) src(%arg11 : memref<80x128xf32, #tpu.memory_space<vmem>>) dst(%dma_wait3A_352 : memref<80x128xf32, #tpu.memory_space<hbm>>)
    return
  }
}

</mosaic_0001>

<sc_bundles>
// kernel: kernel.3.cloned.1.call-start
scs
__scs_entry_jumppad:
0x0: {  	(pc) =	sbr.rel $0x88, $3  }
0x1: {  	(tag) =	ssettag $0x0;
	lr =	simm.s32 $0x1  }
0x2: {  	[smem:$0x3F9F] =	sst lr;
	_ =	strace $0xD0000000  }
0x3: {  	_ = 	snop  }
0x4: {  	_ = 	snop  }
0x5: {  	_ = 	snop  }
0x6: {  	_ = 	snop  }
0x7: {  	_ = 	snop  }
__scs_overlays_trampoline_lowered:
0x8: {  	[smem:$0x3FAE] =	sst s0  }
0x9: {  	[smem:$0x3FAF] =	sst s1  }
0xa: {  	[smem:$0x3FB0] =	sst s2  }
0xb: {  	[smem:$0x3FB1] =	sst s3  }
0xc: {  	[smem:$0x3FB2] =	sst s4  }
0xd: {  	[smem:$0x3FB3] =	sst s5  }
0xe: {  	[smem:$0x3FB4] =	sst s6  }
0xf: {  	[smem:$0x3FB5] =	sst s7  }
0x10: {  	[smem:$0x3FB6] =	sst s8  }
0x11: {  	[smem:$0x3FB7] =	sst s9;
	s0 =	simm.s32 @!p0 $0x0  }
0x12: {  	s1 =	sld [smem:$0x3F9D];
	s0 =	simm.s32 @p0 $0x1  }
0x13: {  	[smem:$0x3FB8] =	sst s0;
	s0 =	simm.s32 @!p1 $0x0  }
0x14: {  	s2 =	sld [smem:$0x3F9C];
	s0 =	simm.s32 @p1 $0x1  }
0x15: {  	[smem:$0x3FB9] =	sst s0;
	s0 =	simm.s32 @!p2 $0x0  }
0x16: {  	s3 =	sld [smem:$0x3FDB];
	s0 =	simm.s32 @p2 $0x1  }
0x17: {  	s4 =	simm.s32 $0x1BF5;
	[smem:$0x3FBB] =	sst s0  }
0x18: {  	s0 =	sld [smem:$0x3F9E];
	_ =	swait.ge [sflag:s4], $0x0  }
0x19: {  	s7 =	sld [smem:$0x3F9F]  }
0x1a: {  	s8 =	sadd.s32 $0xFFFFE003, lr  }
0x1b: {  	s9 =	sadd.s32 $0xFFFFFEF7, lr;
	s5 =	simm.s32 $0xFFFFFFFF;
	p2 =	slt.u32 s8, $0xFFFFF086  }
0x1c: {  	p1 =	slt.u32 s9, $0xF7A;
	s5 =	simm.s32 @!p2 $0x0  }
0x1d: {  	s5 =	simm.s32 @p1 $0x1;
	p0 =	seq.s32 s7, s2  }
0x1e: {  	s7 =	smul.u32 @!p0 $0xF7A, s2;
	p2 =	seq.s32 @!p0 s5, $0x0  }
0x1f: {  	s9 =	smul.u32 $0xF7A, s1;
	s8 =	simm.s32 @!p0 $0x1BF5;
	p2 =	por !p2, p0  }
0x20: {  	[sflag:s8] =	ssyncset.s32 @!p0 $0xFFFFF086;
	s6 =	sadd.s32 @!p0 s3, s7;
	s7 =	simm.s32 @!p0 $0x108  }
0x21: {  	s3 =	sadd.s32 s3, s9;
	s6 =	sadd.s32 @!p0 $0x88, s6;
	s7 =	simm.s32 @p2 $0x1082  }
0x22: {  	[simem:s7], [sflag:s8] =	dma.local @!p0 [hbm:s6], $0xF7A  }
0x23: {  	s9 =	sor.u32 $0xD0000000, s2;
	s6 =	simm.s32 $0x108;
	_ =	swait.ge @!p0 [sflag:s8], $0x0  }
0x24: {  	s3 =	sadd.s32 $0x88, s3;
	s6 =	simm.s32 @!p1 $0x1082;
	[sflag:s4] =	ssyncset.s32 $0xFFFFF086  }
0x25: {  	[simem:s6], [sflag:s4] =	dma.local [hbm:s3], $0xF7A  }
0x26: {  	[smem:$0x3F9F] =	sst s1;
	(tag) =	ssettag s2;
	_ =	strace s9  }
0x27: {  	s1 =	sld [smem:$0x3FAF]  }
0x28: {  	s2 =	sld [smem:$0x3FB0]  }
0x29: {  	s4 =	sld [smem:$0x3FB2]  }
0x2a: {  	p0 =	seq.s32 s5, $0x0;
	s5 =	sld [smem:$0x3FB3]  }
0x2b: {  	s6 =	sld [smem:$0x3FB4]  }
0x2c: {  	s7 =	sld [smem:$0x3FB5]  }
0x2d: {  	s3 =	simm.s32 $0x108;
	s8 =	sld [smem:$0x3FB6]  }
0x2e: {  	s3 =	simm.s32 @!p0 $0x1082;
	s9 =	sld [smem:$0x3FB7]  }
0x2f: {  	lr =	sadd.s32 s0, s3;
	s0 =	sld [smem:$0x3FAE]  }
0x30: {  	s3 =	sld [smem:$0x3FB1]  }
0x31: {  	[smem:$0x3FBA] =	sst s10  }
0x32: {  	s10 =	sld [smem:$0x3FB8];
	_ =	sdelay $0x3  }
0x33: {  	p0 =	seq.s32 s10, $0x1;
	s10 =	sld [smem:$0x3FBA];
	_ =	sdelay $0x3  }
0x34: {  	[smem:$0x3FBA] =	sst s10  }
0x35: {  	s10 =	sld [smem:$0x3FB9];
	_ =	sdelay $0x3  }
0x36: {  	p1 =	seq.s32 s10, $0x1;
	s10 =	sld [smem:$0x3FBA];
	_ =	sdelay $0x3  }
0x37: {  	[smem:$0x3FBA] =	sst s10  }
0x38: {  	s10 =	sld [smem:$0x3FBB]  }
0x39: {  	_ = 	snop;
	(pc) =	sbr.ind lr, $3  }
0x3a: {  	_ = 	snop  }
0x3b: {  	_ = 	snop  }
0x3c: {  	p2 =	seq.s32 s10, $0x1;
	s10 =	sld [smem:$0x3FBA]  }
0x3d: {  	_ =	shalt  }
0x3e: {  	_ =	shalt  }
0x3f: {  	_ =	shalt  }
0x40: {  	_ =	shalt  }
0x41: {  	_ =	shalt  }
0x42: {  	_ =	shalt  }
0x43: {  	_ =	shalt  }
0x44: {  	_ =	shalt  }
0x45: {  	_ =	shalt  }
0x46: {  	_ =	shalt  }
0x47: {  	_ =	shalt  }
0x48: {  	_ =	shalt  }
0x49: {  	_ =	shalt  }
0x4a: {  	_ =	shalt  }
0x4b: {  	_ =	shalt  }
0x4c: {  	_ =	shalt  }
0x4d: {  	_ =	shalt  }
0x4e: {  	_ =	shalt  }
0x4f: {  	_ =	shalt  }
0x50: {  	_ =	shalt  }
0x51: {  	_ =	shalt  }
0x52: {  	_ =	shalt  }
0x53: {  	_ =	shalt  }
0x54: {  	_ =	shalt  }
0x55: {  	_ =	shalt  }
0x56: {  	_ =	shalt  }
0x57: {  	_ =	shalt  }
0x58: {  	_ =	shalt  }
0x59: {  	_ =	shalt  }
0x5a: {  	_ =	shalt  }
0x5b: {  	_ =	shalt  }
0x5c: {  	_ =	shalt  }
0x5d: {  	_ =	shalt  }
0x5e: {  	_ =	shalt  }
0x5f: {  	_ =	shalt  }
0x60: {  	_ =	shalt  }
0x61: {  	_ =	shalt  }
0x62: {  	_ =	shalt  }
0x63: {  	_ =	shalt  }
0x64: {  	_ =	shalt  }
0x65: {  	_ =	shalt  }
0x66: {  	_ =	shalt  }
0x67: {  	_ =	shalt  }
0x68: {  	_ =	shalt  }
0x69: {  	_ =	shalt  }
0x6a: {  	_ =	shalt  }
0x6b: {  	_ =	shalt  }
0x6c: {  	_ =	shalt  }
0x6d: {  	_ =	shalt  }
0x6e: {  	_ =	shalt  }
0x6f: {  	_ =	shalt  }
0x70: {  	_ =	shalt  }
0x71: {  	_ =	shalt  }
0x72: {  	_ =	shalt  }
0x73: {  	_ =	shalt  }
0x74: {  	_ =	shalt  }
0x75: {  	_ =	shalt  }
0x76: {  	_ =	shalt  }
0x77: {  	_ =	shalt  }
0x78: {  	_ =	shalt  }
0x79: {  	_ =	shalt  }
0x7a: {  	_ =	shalt  }
0x7b: {  	_ =	shalt  }
0x7c: {  	_ =	shalt  }
0x7d: {  	_ =	shalt  }
0x7e: {  	_ =	shalt  }
0x7f: {  	_ =	shalt  }
0x80: {  	_ =	shalt  }
0x81: {  	_ =	shalt  }
0x82: {  	_ =	shalt  }
0x83: {  	_ =	shalt  }
0x84: {  	_ =	shalt  }
0x85: {  	_ =	shalt  }
0x86: {  	_ =	shalt  }
0x87: {  	_ =	shalt  }
.Lfunc_end0:
.L_simem_size_0:
called_computation_lowered:
.L_overlay_start_0:
0x88: {  	s2 =	sld [smem:$0x3FD9]  }
0x89: {  	s3 =	sld [smem:$0x3FFE];
	_ =	sdelay $0x1  }
0x8a: {  	s1 =	srdreg.scid  }
0x8b: {  	s0 =	sand.u32 $0x1, s1  }
0x8c: {  	s17 =	sshll.u32 s0, $0xA;
	s2 =	sadd.s32 s3, s2  }
0x8d: {  	s2 =	sadd.s32 s2, s17  }
0x8e: {  	[smem:$0x3FC6] =	sst s2  }
0x8f: {  	_ = 	snop  }
0x90: {  	s2 =	sld [smem:$0x3FC9]  }
0x91: {  	s18 =	sld [smem:$0x3FD0];
	(tm) =	ssettm $0x1  }
0x92: {  	s4 =	sld [smem:$0x3FFB];
	_ =	sdelay $0x3  }
0x93: {  	_ =	strace s4  }
0x94: {  	s4 =	sld [smem:$0x3FFC];
	_ =	sdelay $0x3  }
0x95: {  	_ =	strace s4  }
0x96: {  	s4 =	sld [smem:$0x3FFD];
	_ =	sdelay $0x3  }
0x97: {  	_ =	strace s4  }
0x98: {  	_ =	strace $0x8FFFFFFF  }
0x99: {  	s19 =	sld [smem:$0x3FDB];
	_ =	sdelay $0x1  }
0x9a: {  	s5 =	simm.s32 $_scs_section_size  }
0x9b: {  	s6 =	simm.s32 $_size__tile_overlayer_lowered;
	s7 =	simm.s32 $_tile_overlayer_lowered  }
0x9c: {  	s22 =	simm.s32 $0x1BFF;
	s21 =	sshll.u32 s7, $0x1;
	s4 =	sadd.s32 s5, s19  }
0x9d: {  	s8 =	simm.s32 $0x0;
	s20 =	sshll.u32 s6, $0x1;
	s6 =	sadd.s32 s21, s4  }
0x9e: {  	[timem:s8], [sflag:s22] =	dma.local [hbm:s6], s20  }
0x9f: {  	_ =	swait.ge [sflag:s22], s20  }
0xa0: {  	s5 =	ssub.s32 $0x0, s20;
	[sflag:s22] =	ssyncset.done $0x0  }
0xa1: {  	[sflag:s22] =	ssyncadd.s32 s5;
	_ =	sdelay $0x1  }
0xa2: {  	s23 =	simm.s32 $0x1B8B  }
0xa3: {  	_ =	swait.ge [sflag:s23], $0x1  }
0xa4: {  	[sflag:s23] =	ssyncset.done $0x0  }
0xa5: {  	s25 =	simm.s32 $0x1B8E;
	s24 =	sld [smem:$0x3FFE];
	[sflag:s23] =	ssyncadd.s32 $0xFFFFFFFF  }
0xa6: {  	s26 =	simm.s32 $execute0_lowered;
	[smem:$0x3FD2] =	sst s25  }
0xa7: {  	s6 =	sshll.u32 s26, $0x1;
	_ =	strace $0x80000046;
	[dreg:$0x1] =	wrdreg $0xFFFFFFFF  }
0xa8: {  	s28 =	simm.s32 $_size_execute0_lowered;
	s4 =	sadd.s32 s4, s6;
	[dreg:$0x0] =	wrdreg $0x0  }
0xa9: {  	s6 =	sshll.u32 s28, $0x1;
	[dreg:$0x2] =	wrdreg s4  }
0xaa: {  	[dreg:$0x3] =	wrdreg s6  }
0xab: {  	[dreg:$0x4] =	wrdreg $0xC0  }
0xac: {  	_ =	task [dreg:s8], $0x5FFFF  }
0xad: {  	[dreg:$0x1] =	wrdreg $0xFFFFFFFF  }
0xae: {  	[dreg:$0x0] =	wrdreg $0x60  }
0xaf: {  	[dreg:$0x2] =	wrdreg s2  }
0xb0: {  	[dreg:$0x3] =	wrdreg s24  }
0xb1: {  	[dreg:$0x4] =	wrdreg s18  }
0xb2: {  	[dreg:$0x5] =	wrdreg $0x0  }
0xb3: {  	[dreg:$0x6] =	wrdreg $0x9  }
0xb4: {  	_ =	task.clear_ibuf [dreg:s8], $0x7FFFF;
	_ =	strace $0x90000046  }
0xb5: {  	s29 =	simm.s32 $0x9;
	_ =	strace $0x80000048  }
0xb6: {  	_ =	swait.ge [sflag:s29], $0x1  }
0xb7: {  	[sflag:s29] =	ssyncadd.s32 $0xFFFFFFFF  }
0xb8: {  	_ =	strace $0x90000048  }
0xb9: {  	_ =	sfence  }
0xba: {  	s30 =	sld [smem:$0x0];
	_ =	sdelay $0x2  }
0xbb: {  	s31 =	sshll.u32 s1, $0xD;
	s1 =	sshrl.u32 s1, $0x2  }
0xbc: {  	s3 =	sand.u32 $0x4000, s31;
	s1 =	sadd.s32 s1, s30  }
0xbd: {  	s0 =	sor.u32 s3, s0;
	s1 =	sshll.u32 s1, $0x11  }
0xbe: {  	s0 =	sor.u32 s1, s0  }
0xbf: {  	s0 =	sadd.s32 $0x8F2B, s0  }
0xc0: {  	[sflag:s0] =	ssyncadd.remote.s32 $0x1  }
0xc1: {  	_ =	sfence.sel $0xFFFF  }
0xc2: {  	[dreg:$0x0] =	wrdreg $0xFFFFFFFF;
	(pc) =	sbr.abs _section_cstart, $3  }
0xc3: {  	[dreg:$0x1] =	wrdreg $0xFFFFFFFF  }
0xc4: {  	_ =	task.clear_ibuf [dreg:s8], $0x2FFFF;
	_ =	strace $0x9FFFFFFF  }
0xc5: {  	(tm) =	ssettm $0x7FFFFFFF  }
tec
execute0_lowered:
.L_overlay_start_1:
0x0: {  	(tag) =	ssettag $0x1  }
0x1: {  	s0 =	srdreg.scid;
	s3 =	stileid.u32  }
0x2: {  	s0 =	sand.u32 $0x1, s0;
	s1 =	sshll.u32 s3, $0x1  }
0x3: {  	s6 =	sor.u32 s0, s1  }
0x4: {  	s4 =	smul.u32 $0x2710, s6  }
0x5: {  	v0 =	vlaneseq.u32  }
0x6: {  	v1 =	vmov s4;
	v2 =	vor.u32 s4, v0;
	s13 =	sadd.s32 $0x10, s4  }
0x7: {  	s14 =	sadd.s32 $0x20, s4;
	v3 =	vand.u32 $0x7FF00, v1;
	v2 =	vshrl.u32 v2, $0x3;
	v4 =	vmov s13  }
0x8: {  	s8 =	rddreg [dreg:$0x0];
	s15 =	sadd.s32 $0x40, s4;
	s19 =	sadd.s32 $0x26C0, s4;
	v5 =	vor.u32 s13, v0;
	v6 =	vmov s14;
	v7 =	vor.u32 s14, v0  }
0x9: {  	s12 =	sand.u32 $0x7FF00, s4;
	s22 =	sadd.s32 $0x26E0, s4;
	s24 =	sadd.s32 $0x26F0, s4;
	v8 =	vmov s15;
	v9 =	vmov s19;
	v10 =	vor.u32 s19, v0  }
0xa: {  	s9 =	rddreg [dreg:$0x1];
	s7 =	smin.u32 s12, $0x4B900;
	v11 =	vmov s22;
	v12 =	vmov s24;
	v13 =	vor.u32 s24, v0  }
0xb: {  	s5 =	rddreg [dreg:$0x2];
	v1 =	vmov s7;
	v2 =	vand.u32 $0x1F, v2;
	v4 =	vand.u32 $0x7FFFFF00, v4  }
0xc: {  	s2 =	simm.s32 $0x0;
	s31 =	simm.s32 $0x16280;
	s10 =	smul.u32 $0x4E000, s3;
	v5 =	vshrl.u32 v5, $0x3;
	v6 =	vand.u32 $0x7FFFFF00, v6;
	v7 =	vshrl.u32 v7, $0x3  }
0xd: {  	[smem:$0x7FF] =	sst s2;
	s17 =	smul.u32 $0x2700, s3;
	v8 =	vand.u32 $0x7FFFFF00, v8;
	v4 =	vsub.s32 v4, v1;
	v5 =	vand.u32 $0x1F, v5  }
0xe: {  	s18 =	sshll.u32 s3, $0x6;
	s23 =	smul.u32 $0x4E20, s3;
	s11 =	sadd.s32 $0x30, s4;
	v4 =	vor.u32 v4, v5;
	v5 =	vsub.s32 v6, v1;
	v6 =	vand.u32 $0x1F, v7  }
0xf: {  	p0 =	sne.s32 s3, $0x0;
	s1 =	rddreg [dreg:$0x3];
	s25 =	smul.u32 $0x2710, s0;
	v7 =	vor.u32 s11, v0;
	v5 =	vor.u32 v5, v6;
	v6 =	vmov s11  }
0x10: {  	_ =	strace $0x80000047;
	s10 =	sshrl.u32 s10, $0x2;
	s6 =	smul.u32 $0x138800, s6;
	v9 =	vand.u32 $0x7FFFFF00, v9;
	v7 =	vshrl.u32 v7, $0x3;
	v6 =	vand.u32 $0x7FFFFF00, v6  }
0x11: {  	[dreg:$0x6] =	wrdreg s31;
	s16 =	sadd.s32 s10, s1;
	s28 =	sadd.s32 s25, s23;
	v10 =	vshrl.u32 v10, $0x3;
	v7 =	vand.u32 $0x1F, v7;
	v6 =	vsub.s32 v6, v1  }
0x12: {  	s23 =	simm.s32 $0x4;
	s21 =	sadd.s32 $0x26D0, s4;
	s6 =	sshrl.u32 s6, $0x3;
	v11 =	vand.u32 $0x7FFFFF00, v11;
	v6 =	vor.u32 v6, v7;
	v7 =	vor.u32 s15, v0  }
0x13: {  	s4 =	sadd.s32 $0x2700, s4;
	[dreg:$0x5] =	wrdreg s28;
	s30 =	sshrl.u32 s16, $0x3;
	v12 =	vand.u32 $0x7FFFFF00, v12;
	v3 =	vsub.s32 v3, v1;
	v7 =	vshrl.u32 v7, $0x3  }
0x14: {  	s16 =	simm.s32 $0x50;
	s12 =	ssub.s32 $0x2, s0;
	s14 =	sadd.s32 $0x27000, s8;
	v8 =	vsub.s32 v8, v1;
	v3 =	vor.u32 v2, v3;
	v7 =	vand.u32 $0x1F, v7  }
0x15: {  	s8 =	sadd.s32 s8, s17;
	s6 =	sadd.s32 s5, s6;
	s26 =	sshll.u32 s19, $0x4;
	v7 =	vor.u32 v8, v7;
	v8 =	vsub.s32 v9, v1;
	v9 =	vand.u32 $0x1F, v10  }
0x16: {  	s0 =	smul.u32 $0x27100, s0;
	[dreg:$0xf] =	wrdreg s30;
	s17 =	simm.s32 $0x16180;
	v10 =	vor.u32 s21, v0;
	v8 =	vor.u32 v8, v9;
	v9 =	vmov s21  }
0x17: {  	s19 =	simm.s32 $0x16200;
	s24 =	simm.s32 $0x3;
	[dreg:$0x8] =	wrdreg s14;
	v2 =	vand.u32 $0x7, v0;
	v10 =	vshrl.u32 v10, $0x3;
	v9 =	vand.u32 $0x7FFFFF00, v9  }
0x18: {  	s7 =	sshrl.u32 s7, $0x3;
	s13 =	sshrl.u32 s12, $0x1;
	[dreg:$0x9] =	wrdreg s8;
	v2 =	vmul.u32 $0x20, v2;
	v10 =	vand.u32 $0x1F, v10;
	v9 =	vsub.s32 v9, v1  }
0x19: {  	s6 =	sadd.s32 $0x26700, s6;
	v13 =	vshrl.u32 v13, $0x3;
	s9 =	sadd.s32 s7, s9;
	s12 =	ssub.s32 s12, s13;
	v9 =	vor.u32 v9, v10;
	v10 =	vor.u32 s22, v0  }
0x1a: {  	s13 =	sor.u32 $0x1C01, s18;
	[dreg:$0xb] =	wrdreg s6;
	v11 =	vsub.s32 v11, v1;
	s6 =	sadd.s32 s5, s26;
	v3 =	vor.u32 v2, v3;
	v10 =	vshrl.u32 v10, $0x3  }
0x1b: {  	s18 =	simm.s32 $0x16300;
	[dreg:$0x7] =	wrdreg s13;
	v4 =	vor.u32 v2, v4;
	v5 =	vor.u32 v2, v5;
	s15 =	smul.u32 $0x4E200, s3;
	v10 =	vand.u32 $0x1F, v10  }
0x1c: {  	s13 =	sadd.s32 $0x138000, s1;
	s20 =	sadd.s32 $0x400, s9;
	[dreg:$0xc] =	wrdreg s6;
	v10 =	vor.u32 v11, v10;
	v11 =	vsub.s32 v12, v1;
	v12 =	vand.u32 $0x1F, v13  }
0x1d: {  	s29 =	smax.u32 s12, $0x1;
	[dreg:$0xa] =	wrdreg s20;
	s5 =	sadd.s32 s15, s5;
	v13 =	vor.u32 s4, v0;
	v11 =	vor.u32 v11, v12;
	v12 =	vmov s4  }
0x1e: {  	[dreg:$0xd] =	wrdreg s29;
	s20 =	simm.s32 $0x18B00;
	v6 =	vor.u32 v2, v6;
	s0 =	sadd.s32 s0, s5;
	v13 =	vshrl.u32 v13, $0x3;
	v12 =	vand.u32 $0x7FFFFF00, v12  }
0x1f: {  	s15 =	simm.s32 $0x1;
	s0 =	sadd.s32 $0xA00, s0;
	v7 =	vor.u32 v2, v7;
	s21 =	simm.s32 $0x1B300;
	v13 =	vand.u32 $0x1F, v13;
	v12 =	vsub.s32 v12, v1  }
0x20: {  	[dreg:$0xe] =	wrdreg s0;
	s0 =	sshrl.u32 @!p0 s13, $0x3;
	s13 =	simm.s32 $0x13880;
	v8 =	vor.u32 v2, v8;
	v9 =	vor.u32 v2, v9;
	v12 =	vor.u32 v12, v13  }
0x21: {  	[dreg:$0x10] =	wrdreg s0;
	s22 =	simm.s32 $0x2;
	v10 =	vor.u32 v2, v10;
	s4 =	simm.s32 $0x0;
	v11 =	vor.u32 v2, v11;
	v12 =	vor.u32 v2, v12  }
.LBB2_1:
0x22: {  	[dreg:$0x11] =	wrdreg s4  }
0x23: {  	s0 =	rddreg [dreg:$0x7]  }
0x24: {  	s3 =	rddreg [dreg:$0x9]  }
0x25: {  	s5 =	rddreg [dreg:$0xf]  }
0x26: {  	[spmem:s5], [sflag:s0] =	dma.local [hbm:s3], $0x2700  }
0x27: {  	s0 =	rddreg [dreg:$0x8]  }
0x28: {  	s3 =	simm.s32 @!p0 $0x1C07;
	s4 =	rddreg [dreg:$0x10]  }
0x29: {  	[spmem:s4], [sflag:s3] =	dma.local @!p0 [hbm:s0], $0x100  }
0x2a: {  	s3 =	simm.s32 @!p0 $0x7  }
0x2b: {  	_ =	swait.ge @!p0 [sflag:s3], $0x100  }
0x2c: {  	[sflag:s3] =	ssyncset.done @!p0 $0x0  }
0x2d: {  	s7 =	simm.s32 $0x7;
	s6 =	rddreg [dreg:$0xa];
	[sflag:s3] =	ssyncadd.s32 @!p0 $0xFFFFFF00  }
0x2e: {  	[tilespmem:s13], [sflag:$0x7] =	stream.linear.gather [hbm4b:s6+s2], $0x2900, $0x38;
	[tilespmem:$0x1DB00] =	vst v63  }
0x2f: {  	_ =	swait.ge [sflag:s7], $0x2900  }
0x30: {  	[sflag:s7] =	ssyncset.done $0x0  }
0x31: {  	[sflag:s7] =	ssyncadd.s32 $0xFFFFD700  }
0x32: {  	_ =	swait.ge [sflag:s15], $0x2700  }
0x33: {  	[sflag:s15] =	ssyncset.done $0x0  }
0x34: {  	[sflag:s15] =	ssyncadd.s32 $0xFFFFD900  }
0x35: {  	[bflag:$0x0] =	sbarrier.arrive $0xFFFF  }
0x36: {  	v13 =	vld.idx.msk [tilespmem:v3+s13+$0x0], $0xffff;
	_ =	sdelay $0x4  }
0x37: {  	[tilespmem:$0x16180] =	vst v13  }
0x38: {  	v13 =	vld.idx.msk [tilespmem:v4+s13+$0x0], $0xffff;
	_ =	sdelay $0x4  }
0x39: {  	[tilespmem:$0x16190] =	vst v13  }
0x3a: {  	v13 =	vld.idx.msk [tilespmem:v5+s13+$0x0], $0xffff;
	_ =	sdelay $0x4  }
0x3b: {  	[tilespmem:$0x161A0] =	vst v13  }
0x3c: {  	v13 =	vld.idx.msk [tilespmem:v6+s13+$0x0], $0xffff;
	_ =	sdelay $0x4  }
0x3d: {  	[tilespmem:$0x161B0] =	vst v13  }
0x3e: {  	v13 =	vld.idx.msk [tilespmem:v7+s13+$0x0], $0xffff;
	_ =	sdelay $0x3  }
0x3f: {  	p1 =	por $0x1, $0x1  }
0x40: {  	s3 =	simm.s32 @!p1 $0x5;
	[tilespmem:$0x161C0] =	vst v13  }
0x41: {  	[tilespmem:s18], [sflag:$0x1] =	stream.indirect.gather [spmem:s1], $0x80, s17, s16, $0xb8;
	[tilespmem:$0x1DB00] =	vst v63  }
0x42: {  	_ =	swait.ge @!p1 [sflag:s3], $0x2800  }
0x43: {  	s8 =	rddreg [dreg:$0x5]  }
0x44: {  	s10 =	sadd.s32 $0x0, s8  }
0x45: {  	s4 =	sadd.s32 $0x50, s10  }
0x46: {  	v13 =	vmov s4;
	v14 =	vor.u32 s4, v0  }
0x47: {  	v13 =	vand.u32 $0x7FFFFF00, v13;
	v14 =	vshrl.u32 v14, $0x3  }
0x48: {  	v13 =	vsub.s32 v13, v1;
	v14 =	vand.u32 $0x1F, v14  }
0x49: {  	v13 =	vor.u32 v13, v14  }
0x4a: {  	v13 =	vor.u32 v2, v13  }
0x4b: {  	s9 =	sadd.s32 $0x60, s10  }
0x4c: {  	v15 =	vor.u32 s9, v0;
	v14 =	vmov s9  }
0x4d: {  	[sflag:s3] =	ssyncset.done @!p1 $0x0;
	v15 =	vshrl.u32 v15, $0x3;
	v14 =	vand.u32 $0x7FFFFF00, v14  }
0x4e: {  	[sflag:s3] =	ssyncadd.s32 @!p1 $0xFFFFD800;
	v15 =	vand.u32 $0x1F, v15;
	v14 =	vsub.s32 v14, v1  }
0x4f: {  	v14 =	vor.u32 v14, v15;
	v13 =	vld.idx.msk [tilespmem:v13+s13+$0x0], $0xffff  }
0x50: {  	v14 =	vor.u32 v2, v14  }
0x51: {  	s11 =	sadd.s32 $0x70, s10  }
0x52: {  	v16 =	vor.u32 s11, v0;
	v15 =	vmov s11  }
0x53: {  	v16 =	vshrl.u32 v16, $0x3;
	v15 =	vand.u32 $0x7FFFFF00, v15  }
0x54: {  	v16 =	vand.u32 $0x1F, v16;
	v15 =	vsub.s32 v15, v1;
	[tilespmem:$0x16200] =	vst v13  }
0x55: {  	v13 =	vor.u32 v15, v16;
	v14 =	vld.idx.msk [tilespmem:v14+s13+$0x0], $0xffff  }
0x56: {  	v13 =	vor.u32 v2, v13  }
0x57: {  	s12 =	sadd.s32 $0x80, s10  }
0x58: {  	v50 =	vor.u32 s12, v0;
	v15 =	vmov s12  }
0x59: {  	v16 =	vshrl.u32 v50, $0x3;
	v15 =	vand.u32 $0x7FFFFF00, v15  }
0x5a: {  	v16 =	vand.u32 $0x1F, v16;
	v15 =	vsub.s32 v15, v1;
	[tilespmem:$0x16210] =	vst v14  }
0x5b: {  	v14 =	vor.u32 v15, v16;
	v13 =	vld.idx.msk [tilespmem:v13+s13+$0x0], $0xffff  }
0x5c: {  	v14 =	vor.u32 v2, v14  }
0x5d: {  	s14 =	sadd.s32 $0x90, s10  }
0x5e: {  	v51 =	vor.u32 s14, v0;
	v15 =	vmov s14  }
0x5f: {  	v16 =	vshrl.u32 v51, $0x3;
	v15 =	vand.u32 $0x7FFFFF00, v15  }
0x60: {  	v16 =	vand.u32 $0x1F, v16;
	v15 =	vsub.s32 v15, v1;
	[tilespmem:$0x16220] =	vst v13  }
0x61: {  	v13 =	vor.u32 v15, v16;
	v14 =	vld.idx.msk [tilespmem:v14+s13+$0x0], $0xffff  }
0x62: {  	v13 =	vor.u32 v2, v13;
	_ =	sdelay $0x3  }
0x63: {  	[tilespmem:$0x16230] =	vst v14  }
0x64: {  	v13 =	vld.idx.msk [tilespmem:v13+s13+$0x0], $0xffff;
	_ =	sdelay $0x3  }
0x65: {  	s25 =	sadd.s32 $0xA0, s10  }
0x66: {  	v15 =	vor.u32 s25, v0;
	v14 =	vmov s25;
	[tilespmem:$0x16240] =	vst v13  }
0x67: {  	v13 =	vand.u32 $0x7FFFFF00, v14;
	v14 =	vshrl.u32 v15, $0x3;
	[tilespmem:s20], [sflag:$0x2] =	stream.indirect.gather [spmem:s1], $0x80, s19, s16, $0xb8;
	[tilespmem:$0x1DB00] =	vst v63  }
0x68: {  	v13 =	vsub.s32 v13, v1;
	v14 =	vand.u32 $0x1F, v14;
	_ =	swait.ge [sflag:s15], $0x2800  }
0x69: {  	s5 =	simm.s32 @!p1 $0x6;
	v13 =	vor.u32 v13, v14;
	[sflag:s15] =	ssyncset.done $0x0;
	s0 =	rddreg [dreg:$0xe]  }
0x6a: {  	s26 =	sadd.s32 $0xB0, s10;
	v13 =	vor.u32 v2, v13;
	[sflag:s15] =	ssyncadd.s32 $0xFFFFD800;
	s28 =	sadd.s32 $0xFFFFF600, s0  }
0x6b: {  	[hbm4b:s28+s2] =	stream.linear.scatter [tilespmem:s18], [sflag:$0x4], $0x2800, $0x38;
	[tilespmem:$0x1DB00] =	vst v63  }
0x6c: {  	v15 =	vor.u32 s26, v0;
	v14 =	vmov s26;
	_ =	swait.ge @!p1 [sflag:s5], $0x2800  }
0x6d: {  	v15 =	vshrl.u32 v15, $0x3;
	v14 =	vand.u32 $0x7FFFFF00, v14;
	[sflag:s5] =	ssyncset.done @!p1 $0x0  }
0x6e: {  	v15 =	vand.u32 $0x1F, v15;
	v14 =	vsub.s32 v14, v1;
	[sflag:s5] =	ssyncadd.s32 @!p1 $0xFFFFD800  }
0x6f: {  	v14 =	vor.u32 v14, v15;
	v13 =	vld.idx.msk [tilespmem:v13+s13+$0x0], $0xffff  }
0x70: {  	v14 =	vor.u32 v2, v14  }
0x71: {  	s6 =	sadd.s32 $0xC0, s10  }
0x72: {  	v52 =	vor.u32 s6, v0;
	v15 =	vmov s6  }
0x73: {  	v16 =	vshrl.u32 v52, $0x3;
	v15 =	vand.u32 $0x7FFFFF00, v15  }
0x74: {  	v16 =	vand.u32 $0x1F, v16;
	v15 =	vsub.s32 v15, v1;
	[tilespmem:$0x16280] =	vst v13  }
0x75: {  	v13 =	vor.u32 v15, v16;
	v14 =	vld.idx.msk [tilespmem:v14+s13+$0x0], $0xffff  }
0x76: {  	v13 =	vor.u32 v2, v13  }
0x77: {  	s7 =	sadd.s32 $0xD0, s10  }
0x78: {  	v53 =	vor.u32 s7, v0;
	v15 =	vmov s7  }
0x79: {  	v16 =	vshrl.u32 v53, $0x3;
	v15 =	vand.u32 $0x7FFFFF00, v15  }
0x7a: {  	v16 =	vand.u32 $0x1F, v16;
	v15 =	vsub.s32 v15, v1;
	[tilespmem:$0x16290] =	vst v14  }
0x7b: {  	v14 =	vor.u32 v15, v16;
	v13 =	vld.idx.msk [tilespmem:v13+s13+$0x0], $0xffff  }
0x7c: {  	v14 =	vor.u32 v2, v14  }
0x7d: {  	s8 =	sadd.s32 $0xE0, s10  }
0x7e: {  	v54 =	vor.u32 s8, v0;
	v15 =	vmov s8  }
0x7f: {  	v16 =	vshrl.u32 v54, $0x3;
	v15 =	vand.u32 $0x7FFFFF00, v15  }
0x80: {  	v16 =	vand.u32 $0x1F, v16;
	v15 =	vsub.s32 v15, v1;
	[tilespmem:$0x162A0] =	vst v13  }
0x81: {  	v13 =	vor.u32 v15, v16;
	v14 =	vld.idx.msk [tilespmem:v14+s13+$0x0], $0xffff  }
0x82: {  	v13 =	vor.u32 v2, v13;
	_ =	sdelay $0x3  }
0x83: {  	[tilespmem:$0x162B0] =	vst v14  }
0x84: {  	v13 =	vld.idx.msk [tilespmem:v13+s13+$0x0], $0xffff;
	_ =	sdelay $0x3  }
0x85: {  	s11 =	sadd.s32 $0xF0, s10  }
0x86: {  	s9 =	rddreg [dreg:$0x6];
	v15 =	vor.u32 s11, v0;
	v14 =	vmov s11;
	[tilespmem:$0x162C0] =	vst v13  }
0x87: {  	v13 =	vand.u32 $0x7FFFFF00, v14;
	v14 =	vshrl.u32 v15, $0x3;
	[tilespmem:s21], [sflag:$0x3] =	stream.indirect.gather [spmem:s1], $0x80, s9, s16, $0xb8;
	[tilespmem:$0x1DB00] =	vst v63  }
0x88: {  	v13 =	vsub.s32 v13, v1;
	v14 =	vand.u32 $0x1F, v14;
	_ =	swait.ge [sflag:s22], $0x2800  }
0x89: {  	v13 =	vor.u32 v13, v14;
	[sflag:s22] =	ssyncset.done $0x0  }
0x8a: {  	s12 =	sadd.s32 $0x100, s10;
	s14 =	sadd.s32 $0xFFFFFB00, s0;
	v13 =	vor.u32 v2, v13;
	[sflag:s22] =	ssyncadd.s32 $0xFFFFD800  }
0x8b: {  	v15 =	vor.u32 s12, v0;
	[hbm4b:s14+s2] =	stream.linear.scatter [tilespmem:s20], [sflag:$0x5], $0x2800, $0x38;
	[tilespmem:$0x1DB00] =	vst v63  }
0x8c: {  	v55 =	vshll.u32 v15, $0x5;
	v14 =	vmov s12;
	_ =	swait.ge [sflag:s23], $0x2800  }
0x8d: {  	v15 =	vshrl.u32 v15, $0x3;
	v17 =	vand.u32 $0x80, v55;
	v14 =	vand.u32 $0x7FFFFF00, v14;
	[sflag:s23] =	ssyncset.done $0x0  }
0x8e: {  	v15 =	vand.u32 $0x1F, v15;
	v16 =	vand.u32 $0x60, v55;
	v14 =	vsub.s32 v14, v1;
	[sflag:s23] =	ssyncadd.s32 $0xFFFFD800  }
0x8f: {  	v15 =	vor.u32 v15, v16;
	v14 =	vor.u32 v14, v17;
	v13 =	vld.idx.msk [tilespmem:v13+s13+$0x0], $0xffff  }
0x90: {  	s25 =	sadd.s32 $0x110, s10;
	v14 =	vor.u32 v15, v14  }
0x91: {  	v56 =	vor.u32 s25, v0  }
0x92: {  	v57 =	vshll.u32 v56, $0x5;
	v15 =	vmov s25  }
0x93: {  	v18 =	vand.u32 $0x80, v57;
	v16 =	vshrl.u32 v56, $0x3;
	v15 =	vand.u32 $0x7FFFFF00, v15  }
0x94: {  	v16 =	vand.u32 $0x1F, v16;
	v17 =	vand.u32 $0x60, v57;
	v15 =	vsub.s32 v15, v1;
	[tilespmem:$0x16180] =	vst v13  }
0x95: {  	v13 =	vor.u32 v15, v18;
	v15 =	vor.u32 v16, v17;
	v14 =	vld.idx.msk [tilespmem:v14+s13+$0x0], $0xffff  }
0x96: {  	s26 =	sadd.s32 $0x120, s10;
	v13 =	vor.u32 v15, v13  }
0x97: {  	v58 =	vor.u32 s26, v0  }
0x98: {  	v59 =	vshll.u32 v58, $0x5;
	v15 =	vmov s26  }
0x99: {  	v60 =	vand.u32 $0x60, v59;
	v16 =	vshrl.u32 v58, $0x3;
	v15 =	vand.u32 $0x7FFFFF00, v15  }
0x9a: {  	v17 =	vand.u32 $0x80, v59;
	v16 =	vand.u32 $0x1F, v16;
	v15 =	vsub.s32 v15, v1;
	[tilespmem:$0x16190] =	vst v14  }
0x9b: {  	v15 =	vor.u32 v15, v17;
	v14 =	vor.u32 v16, v60;
	v13 =	vld.idx.msk [tilespmem:v13+s13+$0x0], $0xffff  }
0x9c: {  	s28 =	sadd.s32 $0x130, s10;
	v14 =	vor.u32 v14, v15  }
0x9d: {  	v61 =	vor.u32 s28, v0  }
0x9e: {  	v62 =	vshll.u32 v61, $0x5;
	v15 =	vmov s28  }
0x9f: {  	v63 =	vand.u32 $0x80, v62;
	v16 =	vshrl.u32 v61, $0x3;
	v15 =	vand.u32 $0x7FFFFF00, v15  }
0xa0: {  	v17 =	vand.u32 $0x60, v62;
	v16 =	vand.u32 $0x1F, v16;
	v15 =	vsub.s32 v15, v1;
	[tilespmem:$0x161A0] =	vst v13  }
0xa1: {  	v13 =	vor.u32 v15, v63;
	v15 =	vor.u32 v16, v17;
	v14 =	vld.idx.msk [tilespmem:v14+s13+$0x0], $0xffff  }
0xa2: {  	v13 =	vor.u32 v15, v13;
	_ =	sdelay $0x3  }
0xa3: {  	[tilespmem:$0x161B0] =	vst v14  }
0xa4: {  	v13 =	vld.idx.msk [tilespmem:v13+s13+$0x0], $0xffff;
	_ =	sdelay $0x3  }
0xa5: {  	s30 =	simm.s32 $0xF0;
	s31 =	simm.s32 $0x1E0  }
0xa6: {  	p2 =	por $0x0, $0x0;
	s29 =	sadd.s32 $0xF00, s0;
	s10 =	smov.u32 s0;
	[tilespmem:$0x161C0] =	vst v13  }
.LBB2_2:
0xa7: {  	[tilespmem:s18], [sflag:$0x1] =	stream.indirect.gather [spmem:s1], $0x80, s17, s16, $0xb8;
	[tilespmem:$0x1DB00] =	vst v63  }
0xa8: {  	_ =	swait.ge [sflag:s24], $0x2800  }
0xa9: {  	[sflag:s24] =	ssyncset.done $0x0  }
0xaa: {  	s14 =	simm.s32 @!p2 $0x5;
	[sflag:s24] =	ssyncadd.s32 $0xFFFFD800  }
0xab: {  	[hbm4b:s10+s2] =	stream.linear.scatter [tilespmem:s21], [sflag:$0x6], $0x2800, $0x38;
	[tilespmem:$0x1DB00] =	vst v63  }
0xac: {  	_ =	swait.ge @!p2 [sflag:s14], $0x2800  }
0xad: {  	s4 =	rddreg [dreg:$0x5]  }
0xae: {  	s26 =	sadd.s32 s30, s4  }
0xaf: {  	s0 =	sadd.s32 $0x50, s26  }
0xb0: {  	v13 =	vmov s0;
	v14 =	vor.u32 s0, v0  }
0xb1: {  	v13 =	vand.u32 $0x7FFFFF00, v13;
	v14 =	vshrl.u32 v14, $0x3  }
0xb2: {  	v13 =	vsub.s32 v13, v1;
	v14 =	vand.u32 $0x1F, v14  }
0xb3: {  	v13 =	vor.u32 v13, v14  }
0xb4: {  	v13 =	vor.u32 v2, v13  }
0xb5: {  	s4 =	sadd.s32 $0x60, s26  }
0xb6: {  	v15 =	vmov s4;
	v16 =	vor.u32 s4, v0  }
0xb7: {  	[sflag:s14] =	ssyncset.done @!p2 $0x0;
	v16 =	vshrl.u32 v16, $0x3;
	v15 =	vand.u32 $0x7FFFFF00, v15  }
0xb8: {  	[sflag:s14] =	ssyncadd.s32 @!p2 $0xFFFFD800;
	v15 =	vsub.s32 v15, v1;
	v16 =	vand.u32 $0x1F, v16  }
0xb9: {  	v15 =	vor.u32 v15, v16;
	v13 =	vld.idx.msk [tilespmem:v13+s13+$0x0], $0xffff  }
0xba: {  	v15 =	vor.u32 v2, v15  }
0xbb: {  	s5 =	sadd.s32 $0x70, s26  }
0xbc: {  	v17 =	vor.u32 s5, v0;
	v14 =	vmov s5  }
0xbd: {  	v17 =	vshrl.u32 v17, $0x3;
	v14 =	vand.u32 $0x7FFFFF00, v14  }
0xbe: {  	v30 =	vand.u32 $0x1F, v17;
	v14 =	vsub.s32 v14, v1;
	[tilespmem:$0x16200] =	vst v13  }
0xbf: {  	v14 =	vor.u32 v14, v30;
	v15 =	vld.idx.msk [tilespmem:v15+s13+$0x0], $0xffff  }
0xc0: {  	v14 =	vor.u32 v2, v14  }
0xc1: {  	s25 =	sadd.s32 $0x80, s26  }
0xc2: {  	v31 =	vmov s25;
	v32 =	vor.u32 s25, v0  }
0xc3: {  	v17 =	vshrl.u32 v32, $0x3;
	v16 =	vand.u32 $0x7FFFFF00, v31  }
0xc4: {  	v17 =	vand.u32 $0x1F, v17;
	v16 =	vsub.s32 v16, v1;
	[tilespmem:$0x16210] =	vst v15  }
0xc5: {  	v20 =	vor.u32 v16, v17;
	v45 =	vld.idx.msk [tilespmem:v14+s13+$0x0], $0xffff  }
0xc6: {  	v24 =	vor.u32 v2, v20  }
0xc7: {  	s0 =	sadd.s32 $0x90, s26  }
0xc8: {  	v18 =	vmov s0;
	v19 =	vor.u32 s0, v0  }
0xc9: {  	v33 =	vand.u32 $0x7FFFFF00, v18;
	v34 =	vshrl.u32 v19, $0x3  }
0xca: {  	v16 =	vsub.s32 v33, v1;
	v17 =	vand.u32 $0x1F, v34;
	[tilespmem:$0x16220] =	vst v45  }
0xcb: {  	v21 =	vor.u32 v16, v17;
	v24 =	vld.idx.msk [tilespmem:v24+s13+$0x0], $0xffff  }
0xcc: {  	v21 =	vor.u32 v2, v21;
	_ =	sdelay $0x3  }
0xcd: {  	[tilespmem:$0x16230] =	vst v24  }
0xce: {  	v24 =	vld.idx.msk [tilespmem:v21+s13+$0x0], $0xffff;
	_ =	sdelay $0x3  }
0xcf: {  	s28 =	sadd.s32 $0xA0, s26  }
0xd0: {  	s3 =	smov.u32 s31;
	v35 =	vmov s28;
	v36 =	vor.u32 s28, v0;
	[tilespmem:$0x16240] =	vst v24  }
0xd1: {  	v16 =	vand.u32 $0x7FFFFF00, v35;
	v17 =	vshrl.u32 v36, $0x3;
	[tilespmem:s20], [sflag:$0x2] =	stream.indirect.gather [spmem:s1], $0x80, s19, s16, $0xb8;
	[tilespmem:$0x1DB00] =	vst v63  }
0xd2: {  	s30 =	smov.u32 s3;
	v16 =	vsub.s32 v16, v1;
	v17 =	vand.u32 $0x1F, v17;
	_ =	swait.ge [sflag:s15], $0x2800  }
0xd3: {  	s12 =	sadd.s32 $0xB0, s26;
	s3 =	sadd.s32 $0x120, s26;
	v38 =	vor.u32 v16, v17;
	[sflag:s15] =	ssyncset.done $0x0  }
0xd4: {  	v26 =	vmov s3;
	v54 =	vor.u32 s3, v0;
	s25 =	sadd.s32 $0xFFFFF600, s29;
	s3 =	simm.s32 @!p2 $0x6;
	v19 =	vor.u32 v2, v38;
	[sflag:s15] =	ssyncadd.s32 $0xFFFFD800  }
0xd5: {  	[hbm4b:s25+s2] =	stream.linear.scatter [tilespmem:s18], [sflag:$0x4], $0x2800, $0x38;
	[tilespmem:$0x1DB00] =	vst v63  }
0xd6: {  	v37 =	vmov s12;
	v22 =	vor.u32 s12, v0;
	_ =	swait.ge @!p2 [sflag:s3], $0x2800  }
0xd7: {  	v39 =	vshrl.u32 v22, $0x3;
	v13 =	vand.u32 $0x7FFFFF00, v37;
	[sflag:s3] =	ssyncset.done @!p2 $0x0  }
0xd8: {  	v16 =	vand.u32 $0x1F, v39;
	v13 =	vsub.s32 v13, v1;
	[sflag:s3] =	ssyncadd.s32 @!p2 $0xFFFFD800  }
0xd9: {  	v16 =	vor.u32 v13, v16;
	v19 =	vld.idx.msk [tilespmem:v19+s13+$0x0], $0xffff  }
0xda: {  	v16 =	vor.u32 v2, v16  }
0xdb: {  	s11 =	sadd.s32 $0xC0, s26  }
0xdc: {  	v40 =	vmov s11;
	v13 =	vor.u32 s11, v0  }
0xdd: {  	v17 =	vand.u32 $0x7FFFFF00, v40;
	v13 =	vshrl.u32 v13, $0x3  }
0xde: {  	v17 =	vsub.s32 v17, v1;
	v13 =	vand.u32 $0x1F, v13;
	[tilespmem:$0x16280] =	vst v19  }
0xdf: {  	v42 =	vor.u32 v17, v13;
	v16 =	vld.idx.msk [tilespmem:v16+s13+$0x0], $0xffff  }
0xe0: {  	v18 =	vor.u32 v2, v42  }
0xe1: {  	s9 =	sadd.s32 $0xD0, s26  }
0xe2: {  	v41 =	vmov s9;
	v23 =	vor.u32 s9, v0  }
0xe3: {  	v43 =	vshrl.u32 v23, $0x3;
	v13 =	vand.u32 $0x7FFFFF00, v41  }
0xe4: {  	v17 =	vand.u32 $0x1F, v43;
	v13 =	vsub.s32 v13, v1;
	[tilespmem:$0x16290] =	vst v16  }
0xe5: {  	v17 =	vor.u32 v13, v17;
	v16 =	vld.idx.msk [tilespmem:v18+s13+$0x0], $0xffff  }
0xe6: {  	v17 =	vor.u32 v2, v17  }
0xe7: {  	s8 =	sadd.s32 $0xE0, s26  }
0xe8: {  	v44 =	vmov s8;
	v13 =	vor.u32 s8, v0  }
0xe9: {  	v15 =	vand.u32 $0x7FFFFF00, v44;
	v13 =	vshrl.u32 v13, $0x3  }
0xea: {  	v15 =	vsub.s32 v15, v1;
	v13 =	vand.u32 $0x1F, v13;
	[tilespmem:$0x162A0] =	vst v16  }
0xeb: {  	v47 =	vor.u32 v15, v13;
	v16 =	vld.idx.msk [tilespmem:v17+s13+$0x0], $0xffff  }
0xec: {  	v63 =	vor.u32 v2, v47;
	_ =	sdelay $0x3  }
0xed: {  	[tilespmem:$0x162B0] =	vst v16  }
0xee: {  	v16 =	vld.idx.msk [tilespmem:v63+s13+$0x0], $0xffff;
	_ =	sdelay $0x2  }
0xef: {  	s7 =	sadd.s32 $0xF0, s26  }
0xf0: {  	s6 =	sadd.s32 $0x100, s26;
	s4 =	sadd.s32 $0x110, s26;
	s26 =	sadd.s32 $0x130, s26;
	v46 =	vor.u32 s7, v0;
	v14 =	vmov s7  }
0xf1: {  	v59 =	vmov s26;
	v60 =	vor.u32 s26, v0;
	v14 =	vand.u32 $0x7FFFFF00, v14;
	s26 =	rddreg [dreg:$0x6];
	[tilespmem:$0x162C0] =	vst v16  }
0xf2: {  	v13 =	vsub.s32 v14, v1;
	v14 =	vshrl.u32 v46, $0x3;
	[tilespmem:s21], [sflag:$0x3] =	stream.indirect.gather [spmem:s1], $0x80, s26, s16, $0xb8;
	[tilespmem:$0x1DB00] =	vst v63  }
0xf3: {  	v14 =	vand.u32 $0x1F, v14;
	_ =	swait.ge [sflag:s22], $0x2800  }
0xf4: {  	v14 =	vor.u32 v13, v14;
	[sflag:s22] =	ssyncset.done $0x0  }
0xf5: {  	s28 =	sadd.s32 $0xFFFFFB00, s29;
	v14 =	vor.u32 v2, v14;
	[sflag:s22] =	ssyncadd.s32 $0xFFFFD800  }
0xf6: {  	v15 =	vmov s6;
	[hbm4b:s28+s2] =	stream.linear.scatter [tilespmem:s20], [sflag:$0x5], $0x2800, $0x38;
	[tilespmem:$0x1DB00] =	vst v63  }
0xf7: {  	v48 =	vor.u32 s6, v0;
	v15 =	vand.u32 $0x7FFFFF00, v15;
	_ =	swait.ge [sflag:s23], $0x2800  }
0xf8: {  	v25 =	vshll.u32 v48, $0x5;
	v13 =	vsub.s32 v15, v1;
	v15 =	vshrl.u32 v48, $0x3;
	[sflag:s23] =	ssyncset.done $0x0  }
0xf9: {  	v49 =	vand.u32 $0x80, v25;
	v50 =	vand.u32 $0x60, v25;
	v15 =	vand.u32 $0x1F, v15;
	[sflag:s23] =	ssyncadd.s32 $0xFFFFD800  }
0xfa: {  	v13 =	vor.u32 v13, v49;
	v15 =	vor.u32 v15, v50;
	v14 =	vld.idx.msk [tilespmem:v14+s13+$0x0], $0xffff  }
0xfb: {  	v13 =	vor.u32 v15, v13  }
0xfc: {  	v51 =	vmov s4  }
0xfd: {  	v22 =	vand.u32 $0x7FFFFF00, v51;
	v15 =	vor.u32 s4, v0  }
0xfe: {  	v22 =	vsub.s32 v22, v1;
	v52 =	vshll.u32 v15, $0x5;
	v15 =	vshrl.u32 v15, $0x3  }
0xff: {  	v53 =	vand.u32 $0x80, v52;
	v15 =	vand.u32 $0x1F, v15;
	v23 =	vand.u32 $0x60, v52;
	[tilespmem:$0x16180] =	vst v14  }
0x100: {  	v22 =	vor.u32 v22, v53;
	v15 =	vor.u32 v15, v23;
	v13 =	vld.idx.msk [tilespmem:v13+s13+$0x0], $0xffff  }
0x101: {  	v15 =	vor.u32 v15, v22;
	_ =	sdelay $0x1  }
0x102: {  	v55 =	vand.u32 $0x7FFFFF00, v26  }
0x103: {  	v56 =	vshll.u32 v54, $0x5;
	v25 =	vsub.s32 v55, v1;
	v23 =	vshrl.u32 v54, $0x3  }
0x104: {  	v58 =	vand.u32 $0x60, v56;
	v57 =	vand.u32 $0x1F, v23;
	v22 =	vand.u32 $0x80, v56;
	[tilespmem:$0x16190] =	vst v13  }
0x105: {  	v21 =	vor.u32 v57, v58;
	v22 =	vor.u32 v25, v22;
	v13 =	vld.idx.msk [tilespmem:v15+s13+$0x0], $0xffff  }
0x106: {  	v14 =	vor.u32 v21, v22;
	_ =	sdelay $0x1  }
0x107: {  	v61 =	vshll.u32 v60, $0x5  }
0x108: {  	v27 =	vand.u32 $0x80, v61;
	v23 =	vand.u32 $0x7FFFFF00, v59;
	v25 =	vshrl.u32 v60, $0x3  }
0x109: {  	v26 =	vand.u32 $0x60, v61;
	v23 =	vsub.s32 v23, v1;
	v25 =	vand.u32 $0x1F, v25;
	[tilespmem:$0x161A0] =	vst v13  }
0x10a: {  	v23 =	vor.u32 v23, v27;
	v62 =	vor.u32 v25, v26;
	v13 =	vld.idx.msk [tilespmem:v14+s13+$0x0], $0xffff  }
0x10b: {  	v23 =	vor.u32 v62, v23;
	_ =	sdelay $0x3  }
0x10c: {  	s31 =	sadd.s32 $0xF0, s31;
	[tilespmem:$0x161B0] =	vst v13  }
0x10d: {  	p1 =	sne.s32 s31, $0x2670;
	v13 =	vld.idx.msk [tilespmem:v23+s13+$0x0], $0xffff  }
.Ltmp0:
0x10e: {  	_ = 	snop;
	(pc) =	sbr.rel @p1 .LBB2_2-.Ltmp0, $2  }
0x10f: {  	_ =	sdelay $0x2  }
0x110: {  	s10 =	smov.u32 s29;
	s29 =	sadd.s32 $0xF00, s29;
	p2 =	seq.s32 s30, $0x0;
	[tilespmem:$0x161C0] =	vst v13  }
0x111: {  	[tilespmem:s18], [sflag:$0x1] =	stream.indirect.gather [spmem:s1], $0x80, s17, s16, $0xb8;
	[tilespmem:$0x1DB00] =	vst v63  }
0x112: {  	_ =	swait.ge [sflag:s24], $0x2800  }
0x113: {  	[sflag:s24] =	ssyncset.done $0x0  }
0x114: {  	s0 =	simm.s32 @!p2 $0x5;
	[sflag:s24] =	ssyncadd.s32 $0xFFFFD800  }
0x115: {  	[hbm4b:s10+s2] =	stream.linear.scatter [tilespmem:s21], [sflag:$0x6], $0x2800, $0x38;
	[tilespmem:$0x1DB00] =	vst v63  }
0x116: {  	_ =	swait.ge @!p2 [sflag:s0], $0x2800  }
0x117: {  	s3 =	rddreg [dreg:$0x5]  }
0x118: {  	s10 =	sadd.s32 s30, s3  }
0x119: {  	s3 =	sadd.s32 $0x50, s10  }
0x11a: {  	v13 =	vmov s3;
	v14 =	vor.u32 s3, v0  }
0x11b: {  	v13 =	vand.u32 $0x7FFFFF00, v13;
	v14 =	vshrl.u32 v14, $0x3  }
0x11c: {  	v13 =	vsub.s32 v13, v1;
	v14 =	vand.u32 $0x1F, v14  }
0x11d: {  	v13 =	vor.u32 v13, v14  }
0x11e: {  	v13 =	vor.u32 v2, v13  }
0x11f: {  	s12 =	sadd.s32 $0x60, s10  }
0x120: {  	v15 =	vor.u32 s12, v0;
	v14 =	vmov s12  }
0x121: {  	[sflag:s0] =	ssyncset.done @!p2 $0x0;
	v15 =	vshrl.u32 v15, $0x3;
	v14 =	vand.u32 $0x7FFFFF00, v14  }
0x122: {  	[sflag:s0] =	ssyncadd.s32 @!p2 $0xFFFFD800;
	v15 =	vand.u32 $0x1F, v15;
	v14 =	vsub.s32 v14, v1  }
0x123: {  	v14 =	vor.u32 v14, v15;
	v13 =	vld.idx.msk [tilespmem:v13+s13+$0x0], $0xffff  }
0x124: {  	v14 =	vor.u32 v2, v14  }
0x125: {  	s14 =	sadd.s32 $0x70, s10  }
0x126: {  	v16 =	vor.u32 s14, v0;
	v15 =	vmov s14  }
0x127: {  	v16 =	vshrl.u32 v16, $0x3;
	v15 =	vand.u32 $0x7FFFFF00, v15  }
0x128: {  	v16 =	vand.u32 $0x1F, v16;
	v15 =	vsub.s32 v15, v1;
	[tilespmem:$0x16200] =	vst v13  }
0x129: {  	v13 =	vor.u32 v15, v16;
	v14 =	vld.idx.msk [tilespmem:v14+s13+$0x0], $0xffff  }
0x12a: {  	v13 =	vor.u32 v2, v13  }
0x12b: {  	s25 =	sadd.s32 $0x80, s10  }
0x12c: {  	v50 =	vor.u32 s25, v0;
	v15 =	vmov s25  }
0x12d: {  	v16 =	vshrl.u32 v50, $0x3;
	v15 =	vand.u32 $0x7FFFFF00, v15  }
0x12e: {  	v16 =	vand.u32 $0x1F, v16;
	v15 =	vsub.s32 v15, v1;
	[tilespmem:$0x16210] =	vst v14  }
0x12f: {  	v14 =	vor.u32 v15, v16;
	v13 =	vld.idx.msk [tilespmem:v13+s13+$0x0], $0xffff  }
0x130: {  	v14 =	vor.u32 v2, v14  }
0x131: {  	s26 =	sadd.s32 $0x90, s10  }
0x132: {  	v51 =	vor.u32 s26, v0;
	v15 =	vmov s26  }
0x133: {  	v16 =	vshrl.u32 v51, $0x3;
	v15 =	vand.u32 $0x7FFFFF00, v15  }
0x134: {  	v16 =	vand.u32 $0x1F, v16;
	v15 =	vsub.s32 v15, v1;
	[tilespmem:$0x16220] =	vst v13  }
0x135: {  	v13 =	vor.u32 v15, v16;
	v14 =	vld.idx.msk [tilespmem:v14+s13+$0x0], $0xffff  }
0x136: {  	v13 =	vor.u32 v2, v13;
	_ =	sdelay $0x3  }
0x137: {  	[tilespmem:$0x16230] =	vst v14  }
0x138: {  	v13 =	vld.idx.msk [tilespmem:v13+s13+$0x0], $0xffff;
	_ =	sdelay $0x3  }
0x139: {  	s28 =	sadd.s32 $0xA0, s10  }
0x13a: {  	v14 =	vor.u32 s28, v0;
	[tilespmem:$0x16240] =	vst v13;
	v13 =	vmov s28  }
0x13b: {  	v14 =	vshrl.u32 v14, $0x3;
	[tilespmem:s20], [sflag:$0x2] =	stream.indirect.gather [spmem:s1], $0x80, s19, s16, $0xb8;
	v13 =	vand.u32 $0x7FFFFF00, v13;
	[tilespmem:$0x1DB00] =	vst v63  }
0x13c: {  	v14 =	vand.u32 $0x1F, v14;
	_ =	swait.ge [sflag:s15], $0x2800;
	v13 =	vsub.s32 v13, v1  }
0x13d: {  	s30 =	sadd.s32 $0xFFFFF600, s29;
	[sflag:s15] =	ssyncset.done $0x0;
	v13 =	vor.u32 v13, v14  }
0x13e: {  	s31 =	sadd.s32 $0xB0, s10;
	s3 =	simm.s32 @!p2 $0x6;
	[sflag:s15] =	ssyncadd.s32 $0xFFFFD800;
	v13 =	vor.u32 v2, v13  }
0x13f: {  	[hbm4b:s30+s2] =	stream.linear.scatter [tilespmem:s18], [sflag:$0x4], $0x2800, $0x38;
	[tilespmem:$0x1DB00] =	vst v63  }
0x140: {  	v15 =	vor.u32 s31, v0;
	v14 =	vmov s31;
	_ =	swait.ge @!p2 [sflag:s3], $0x2800  }
0x141: {  	v15 =	vshrl.u32 v15, $0x3;
	v14 =	vand.u32 $0x7FFFFF00, v14;
	[sflag:s3] =	ssyncset.done @!p2 $0x0  }
0x142: {  	v15 =	vand.u32 $0x1F, v15;
	v14 =	vsub.s32 v14, v1;
	[sflag:s3] =	ssyncadd.s32 @!p2 $0xFFFFD800  }
0x143: {  	v14 =	vor.u32 v14, v15;
	v13 =	vld.idx.msk [tilespmem:v13+s13+$0x0], $0xffff  }
0x144: {  	v14 =	vor.u32 v2, v14  }
0x145: {  	s4 =	sadd.s32 $0xC0, s10  }
0x146: {  	v52 =	vor.u32 s4, v0;
	v15 =	vmov s4  }
0x147: {  	v16 =	vshrl.u32 v52, $0x3;
	v15 =	vand.u32 $0x7FFFFF00, v15  }
0x148: {  	v16 =	vand.u32 $0x1F, v16;
	v15 =	vsub.s32 v15, v1;
	[tilespmem:$0x16280] =	vst v13  }
0x149: {  	v13 =	vor.u32 v15, v16;
	v14 =	vld.idx.msk [tilespmem:v14+s13+$0x0], $0xffff  }
0x14a: {  	v13 =	vor.u32 v2, v13  }
0x14b: {  	s5 =	sadd.s32 $0xD0, s10  }
0x14c: {  	v53 =	vor.u32 s5, v0;
	v15 =	vmov s5  }
0x14d: {  	v16 =	vshrl.u32 v53, $0x3;
	v15 =	vand.u32 $0x7FFFFF00, v15  }
0x14e: {  	v16 =	vand.u32 $0x1F, v16;
	v15 =	vsub.s32 v15, v1;
	[tilespmem:$0x16290] =	vst v14  }
0x14f: {  	v14 =	vor.u32 v15, v16;
	v13 =	vld.idx.msk [tilespmem:v13+s13+$0x0], $0xffff  }
0x150: {  	v14 =	vor.u32 v2, v14  }
0x151: {  	s6 =	sadd.s32 $0xE0, s10  }
0x152: {  	v54 =	vor.u32 s6, v0;
	v15 =	vmov s6  }
0x153: {  	v16 =	vshrl.u32 v54, $0x3;
	v15 =	vand.u32 $0x7FFFFF00, v15  }
0x154: {  	v16 =	vand.u32 $0x1F, v16;
	v15 =	vsub.s32 v15, v1;
	[tilespmem:$0x162A0] =	vst v13  }
0x155: {  	v13 =	vor.u32 v15, v16;
	v14 =	vld.idx.msk [tilespmem:v14+s13+$0x0], $0xffff  }
0x156: {  	v13 =	vor.u32 v2, v13;
	_ =	sdelay $0x3  }
0x157: {  	[tilespmem:$0x162B0] =	vst v14  }
0x158: {  	v13 =	vld.idx.msk [tilespmem:v13+s13+$0x0], $0xffff;
	_ =	sdelay $0x3  }
0x159: {  	s8 =	sadd.s32 $0xF0, s10  }
0x15a: {  	s7 =	rddreg [dreg:$0x6];
	v15 =	vor.u32 s8, v0;
	v14 =	vmov s8;
	[tilespmem:$0x162C0] =	vst v13  }
0x15b: {  	v13 =	vand.u32 $0x7FFFFF00, v14;
	v14 =	vshrl.u32 v15, $0x3;
	[tilespmem:s21], [sflag:$0x3] =	stream.indirect.gather [spmem:s1], $0x80, s7, s16, $0xb8;
	[tilespmem:$0x1DB00] =	vst v63  }
0x15c: {  	v13 =	vsub.s32 v13, v1;
	v14 =	vand.u32 $0x1F, v14;
	_ =	swait.ge [sflag:s22], $0x2800  }
0x15d: {  	v13 =	vor.u32 v13, v14;
	[sflag:s22] =	ssyncset.done $0x0  }
0x15e: {  	s11 =	sadd.s32 $0xFFFFFB00, s29;
	s9 =	sadd.s32 $0x100, s10;
	v13 =	vor.u32 v2, v13;
	[sflag:s22] =	ssyncadd.s32 $0xFFFFD800  }
0x15f: {  	v15 =	vor.u32 s9, v0;
	[hbm4b:s11+s2] =	stream.linear.scatter [tilespmem:s20], [sflag:$0x5], $0x2800, $0x38;
	[tilespmem:$0x1DB00] =	vst v63  }
0x160: {  	v55 =	vshll.u32 v15, $0x5;
	v14 =	vmov s9;
	_ =	swait.ge [sflag:s23], $0x2800  }
0x161: {  	v15 =	vshrl.u32 v15, $0x3;
	v17 =	vand.u32 $0x80, v55;
	v14 =	vand.u32 $0x7FFFFF00, v14;
	[sflag:s23] =	ssyncset.done $0x0  }
0x162: {  	v15 =	vand.u32 $0x1F, v15;
	v16 =	vand.u32 $0x60, v55;
	v14 =	vsub.s32 v14, v1;
	[sflag:s23] =	ssyncadd.s32 $0xFFFFD800  }
0x163: {  	v15 =	vor.u32 v15, v16;
	v14 =	vor.u32 v14, v17;
	v13 =	vld.idx.msk [tilespmem:v13+s13+$0x0], $0xffff  }
0x164: {  	s12 =	sadd.s32 $0x110, s10;
	v14 =	vor.u32 v15, v14  }
0x165: {  	v56 =	vor.u32 s12, v0  }
0x166: {  	v57 =	vshll.u32 v56, $0x5;
	v15 =	vmov s12  }
0x167: {  	v18 =	vand.u32 $0x80, v57;
	v16 =	vshrl.u32 v56, $0x3;
	v15 =	vand.u32 $0x7FFFFF00, v15  }
0x168: {  	v16 =	vand.u32 $0x1F, v16;
	v17 =	vand.u32 $0x60, v57;
	v15 =	vsub.s32 v15, v1;
	[tilespmem:$0x16180] =	vst v13  }
0x169: {  	v13 =	vor.u32 v15, v18;
	v15 =	vor.u32 v16, v17;
	v14 =	vld.idx.msk [tilespmem:v14+s13+$0x0], $0xffff  }
0x16a: {  	s14 =	sadd.s32 $0x120, s10;
	v13 =	vor.u32 v15, v13  }
0x16b: {  	v58 =	vor.u32 s14, v0  }
0x16c: {  	v59 =	vshll.u32 v58, $0x5;
	v15 =	vmov s14  }
0x16d: {  	v60 =	vand.u32 $0x60, v59;
	v16 =	vshrl.u32 v58, $0x3;
	v15 =	vand.u32 $0x7FFFFF00, v15  }
0x16e: {  	v17 =	vand.u32 $0x80, v59;
	v16 =	vand.u32 $0x1F, v16;
	v15 =	vsub.s32 v15, v1;
	[tilespmem:$0x16190] =	vst v14  }
0x16f: {  	v15 =	vor.u32 v15, v17;
	v14 =	vor.u32 v16, v60;
	v13 =	vld.idx.msk [tilespmem:v13+s13+$0x0], $0xffff  }
0x170: {  	s25 =	sadd.s32 $0x130, s10;
	v14 =	vor.u32 v14, v15  }
0x171: {  	v61 =	vor.u32 s25, v0  }
0x172: {  	v62 =	vshll.u32 v61, $0x5;
	v15 =	vmov s25  }
0x173: {  	v63 =	vand.u32 $0x80, v62;
	v16 =	vshrl.u32 v61, $0x3;
	v15 =	vand.u32 $0x7FFFFF00, v15  }
0x174: {  	v17 =	vand.u32 $0x60, v62;
	v16 =	vand.u32 $0x1F, v16;
	v15 =	vsub.s32 v15, v1;
	[tilespmem:$0x161A0] =	vst v13  }
0x175: {  	v13 =	vor.u32 v15, v63;
	v15 =	vor.u32 v16, v17;
	v14 =	vld.idx.msk [tilespmem:v14+s13+$0x0], $0xffff  }
0x176: {  	v13 =	vor.u32 v15, v13;
	_ =	sdelay $0x3  }
0x177: {  	[tilespmem:$0x161B0] =	vst v14  }
0x178: {  	v13 =	vld.idx.msk [tilespmem:v13+s13+$0x0], $0xffff;
	_ =	sdelay $0x4  }
0x179: {  	[tilespmem:$0x161C0] =	vst v13  }
0x17a: {  	[tilespmem:s18], [sflag:$0x1] =	stream.indirect.gather [spmem:s1], $0x80, s17, s16, $0xb8;
	[tilespmem:$0x1DB00] =	vst v63  }
0x17b: {  	_ =	swait.ge [sflag:s24], $0x2800  }
0x17c: {  	[sflag:s24] =	ssyncset.done $0x0  }
0x17d: {  	s26 =	simm.s32 $0x5;
	[sflag:s24] =	ssyncadd.s32 $0xFFFFD800  }
0x17e: {  	[hbm4b:s29+s2] =	stream.linear.scatter [tilespmem:s21], [sflag:$0x6], $0x2800, $0x38;
	[tilespmem:$0x1DB00] =	vst v63  }
0x17f: {  	_ =	swait.ge [sflag:s26], $0x2800  }
0x180: {  	[sflag:s26] =	ssyncset.done $0x0  }
0x181: {  	[sflag:s26] =	ssyncadd.s32 $0xFFFFD800  }
0x182: {  	v13 =	vld.idx.msk [tilespmem:v8+s13+$0x0], $0xffff;
	_ =	sdelay $0x4  }
0x183: {  	[tilespmem:$0x16200] =	vst v13  }
0x184: {  	v13 =	vld.idx.msk [tilespmem:v9+s13+$0x0], $0xffff;
	_ =	sdelay $0x4  }
0x185: {  	[tilespmem:$0x16210] =	vst v13  }
0x186: {  	v13 =	vld.idx.msk [tilespmem:v10+s13+$0x0], $0xffff;
	_ =	sdelay $0x4  }
0x187: {  	[tilespmem:$0x16220] =	vst v13  }
0x188: {  	v13 =	vld.idx.msk [tilespmem:v11+s13+$0x0], $0xffff;
	_ =	sdelay $0x4  }
0x189: {  	[tilespmem:$0x16230] =	vst v13  }
0x18a: {  	v13 =	vld.idx.msk [tilespmem:v12+s13+$0x0], $0xffff;
	_ =	sdelay $0x4  }
0x18b: {  	[tilespmem:$0x16240] =	vst v13  }
0x18c: {  	[tilespmem:s20], [sflag:$0x2] =	stream.indirect.gather [spmem:s1], $0x80, s19, s16, $0xb8;
	[tilespmem:$0x1DB00] =	vst v63  }
0x18d: {  	_ =	swait.ge [sflag:s15], $0x2800  }
0x18e: {  	[sflag:s15] =	ssyncset.done $0x0  }
0x18f: {  	s28 =	rddreg [dreg:$0xb];
	[sflag:s15] =	ssyncadd.s32 $0xFFFFD800  }
0x190: {  	[hbm4b:s28+s2] =	stream.linear.scatter [tilespmem:s18], [sflag:$0x4], $0x2800, $0x38;
	[tilespmem:$0x1DB00] =	vst v63  }
0x191: {  	_ =	swait.ge [sflag:s22], $0x2800  }
0x192: {  	[sflag:s22] =	ssyncset.done $0x0  }
0x193: {  	s30 =	simm.s32 $0x6;
	s29 =	rddreg [dreg:$0xc];
	[sflag:s22] =	ssyncadd.s32 $0xFFFFD800  }
0x194: {  	[hbm4b:s29+s2] =	stream.linear.scatter [tilespmem:s20], [sflag:$0x5], $0x2800, $0x38;
	[tilespmem:$0x1DB00] =	vst v63  }
0x195: {  	_ =	swait.ge [sflag:s30], $0x2800  }
0x196: {  	[sflag:s30] =	ssyncset.done $0x0  }
0x197: {  	[sflag:s30] =	ssyncadd.s32 $0xFFFFD800  }
0x198: {  	_ =	swait.ge [sflag:s23], $0x2800  }
0x199: {  	[sflag:s23] =	ssyncset.done $0x0  }
0x19a: {  	[sflag:s23] =	ssyncadd.s32 $0xFFFFD800  }
0x19b: {  	_ =	swait.ge [sflag:s26], $0x2800  }
0x19c: {  	s4 =	rddreg [dreg:$0x11]  }
0x19d: {  	s31 =	rddreg [dreg:$0xd];
	s4 =	sadd.s32 $0x1, s4  }
0x19e: {  	p1 =	sne.s32 s4, s31  }
.Ltmp1:
0x19f: {  	_ = 	snop;
	(pc) =	sbr.rel @p1 .LBB2_1-.Ltmp1, $3  }
0x1a0: {  	_ =	sdelay $0x1  }
0x1a1: {  	[sflag:s26] =	ssyncset.done $0x0  }
0x1a2: {  	[sflag:s26] =	ssyncadd.s32 $0xFFFFD800  }
0x1a3: {  	_ =	sfence.sel $0x180000  }
0x1a4: {  	[bflag:$0x0] =	sbarrier.arrive $0xFFFF  }
0x1a5: {  	_ =	strace $0x90000047  }
0x1a6: {  	[bflag:$0x2] =	sbarrier.arrive $0xFFFF  }
0x1a7: {  	s0 =	rddreg [dreg:$0x4]  }
0x1a8: {  	s0 =	sadd.s32 @!p0 $0x100000, s0  }
0x1a9: {  	[sflag:s0] =	ssyncadd.tile.s32 @!p0 $0x1;
	_ =	shalt  }
.Lfunc_end2:
_tile_overlayer_lowered:
.L_overlay_start_2:
0x1aa: {  	(tag) =	ssettag $0x2  }
0x1ab: {  	s0 =	rddreg [dreg:$0x0];
	s2 =	stileid.u32  }
0x1ac: {  	s1 =	rddreg [dreg:$0x1];
	p0 =	sne.s32 s2, $0x0  }
0x1ad: {  	s3 =	rddreg [dreg:$0x2];
	[bflag:$0x3] =	sbarrier.arrive $0xFFFF;
	s2 =	simm.s32 @!p0 $0x1C07  }
0x1ae: {  	[timem:s3], [sflag:s2] =	dma.local @!p0 [hbm:s0], s1  }
0x1af: {  	s0 =	simm.s32 @!p0 $0x7  }
0x1b0: {  	_ =	swait.ge @!p0 [sflag:s0], s1  }
0x1b1: {  	s1 =	ssub.s32 @!p0 $0x0, s1;
	[sflag:s0] =	ssyncset.done @!p0 $0x0  }
0x1b2: {  	[sflag:s0] =	ssyncadd.s32 @!p0 s1  }
0x1b3: {  	[bflag:$0x3] =	sbarrier.arrive $0xFFFF  }
0x1b4: {  	_ =	shalt  }

</sc_bundles>
